<compile_context>
chip_gen: v7x
topology: tpu7x:2x2x1
jax: 0.10.2.dev20260603
libtpu: 0.0.44.dev20260713+nightly
codegen_flags: <defaults>
</compile_context>

<pallas_src>
import functools

import jax
import jax.numpy as jnp
from jax import lax
from jax.experimental import pallas as pl
from jax.experimental.pallas import tpu as pltpu
from jax.experimental.pallas import tpu_sc as plsc

_N = 100000
_D = 128
_B = 4096
_NBEH = 3
_INV_T = 10.0
_K = 500
_REG = (1.0, 1.0, 1.0)

_CB = 2048
_RB = 2048
_NRB = _B // _RB
_NCB = 49
_M = _NCB * 128
_PAD_NEG = -3.0

_SC_WORKERS = 32
_BPW = _B // _SC_WORKERS


def _normalize_rows(x):
    ssq = jnp.sum(x * x, axis=1, keepdims=True)
    return x * lax.rsqrt(jnp.maximum(ssq, 1e-24))


def _select_beh(g3, a):
    return jnp.where(a == 0, g3[:, 0, :],
                     jnp.where(a == 1, g3[:, 1, :], g3[:, 2, :]))


@functools.cache
def _gather_kernel():
    @functools.partial(
        pl.kernel,
        mesh=plsc.VectorSubcoreMesh(core_axis_name="c", subcore_axis_name="s"),
        out_type=jax.ShapeDtypeStruct((_B, _NBEH, _D), jnp.float32),
        scratch_types=[
            pltpu.VMEM((_BPW,), jnp.int32),
            pltpu.VMEM((_BPW, _NBEH, _D), jnp.float32),
            pltpu.SemaphoreType.DMA,
        ],
    )
    def gather(table_hbm, idx_hbm, out_hbm, idx_v, rows_v, sem):
        wid = lax.axis_index("s") * 2 + lax.axis_index("c")
        base = wid * _BPW
        pltpu.sync_copy(idx_hbm.at[pl.ds(base, _BPW)], idx_v)
        pltpu.async_copy(table_hbm.at[idx_v], rows_v, sem).wait()
        pltpu.sync_copy(rows_v, out_hbm.at[pl.ds(base, _BPW)])

    return gather


def _gather_rows(emb, idx):
    return _gather_kernel()(emb, idx)


def _prep_body(aux_sref, emb_ref, out_ref):
    a = aux_sref[0]
    aux = _select_beh(emb_ref[...], a)
    out_ref[...] = _normalize_rows(aux).astype(jnp.bfloat16)


def _prep_auxn(emb, aux_idx):
    return pl.pallas_call(
        _prep_body,
        grid_spec=pltpu.PrefetchScalarGridSpec(
            num_scalar_prefetch=1,
            grid=(_NCB,),
            in_specs=[pl.BlockSpec((_CB, _NBEH, _D), lambda j, a: (j, 0, 0))],
            out_specs=pl.BlockSpec((_CB, _D), lambda j, a: (j, 0)),
        ),
        out_shape=jax.ShapeDtypeStruct((_NCB * _CB, _D), jnp.bfloat16),
    )(aux_idx, emb)


def _scores_block(tgtn_f32, auxn_bf16):
    return lax.dot_general(tgtn_f32.astype(jnp.bfloat16), auxn_bf16,
                           (((1,), (1,)), ((), ())),
                           preferred_element_type=jnp.float32)


def _strided_max(s):
    m = s[:, 0:128]
    for t in range(1, _CB // 128):
        m = jnp.maximum(m, s[:, t * 128:(t + 1) * 128])
    return m


def _maxima_body(gath_ref, auxn_ref, out_ref, tgtn_ref):
    j = pl.program_id(1)

    @pl.when(j == 0)
    def _():
        tgtn_ref[...] = _normalize_rows(gath_ref[:, _NBEH - 1, :])

    s = _scores_block(tgtn_ref[...], auxn_ref[...])

    @pl.when(j < _NCB - 1)
    def _():
        out_ref[...] = _strided_max(s).astype(jnp.bfloat16)

    @pl.when(j == _NCB - 1)
    def _():
        col = j * _CB + lax.broadcasted_iota(jnp.int32, (1, _CB), 1)
        sm = jnp.where(col < _N, s, _PAD_NEG)
        out_ref[...] = _strided_max(sm).astype(jnp.bfloat16)


def _chunk_maxima(gath, auxn):
    return pl.pallas_call(
        _maxima_body,
        grid=(_NRB, _NCB),
        in_specs=[
            pl.BlockSpec((_RB, _NBEH, _D), lambda rb, j: (rb, 0, 0)),
            pl.BlockSpec((_CB, _D), lambda rb, j: (j, 0)),
        ],
        out_specs=pl.BlockSpec((_RB, 128), lambda rb, j: (rb, j)),
        out_shape=jax.ShapeDtypeStruct((_B, _M), jnp.bfloat16),
        scratch_shapes=[pltpu.VMEM((_RB, _D), jnp.float32)],
    )(gath, auxn)


def _cutoff_body(cm_ref, x_ref):
    c = cm_ref[...]
    rows = c.shape[0]

    def it(_, lh):
        lo, hi = lh
        mid = 0.5 * (lo + hi)
        cmp = (c >= mid.astype(jnp.bfloat16)).astype(jnp.float32)
        cnt = jnp.sum(cmp, axis=1, keepdims=True)
        ge = cnt >= float(_K)
        return jnp.where(ge, mid, lo), jnp.where(ge, hi, mid)

    lo0 = jnp.full((rows, 1), -1.001, jnp.float32)
    hi0 = jnp.full((rows, 1), 1.001, jnp.float32)
    lo, _ = lax.fori_loop(0, 24, it, (lo0, hi0))
    x_ref[...] = lo


def _cutoff(cm):
    rb = 512
    return pl.pallas_call(
        _cutoff_body,
        grid=(_B // rb,),
        in_specs=[pl.BlockSpec((rb, _M), lambda i: (i, 0))],
        out_specs=pl.BlockSpec((rb, 1), lambda i: (i, 0)),
        out_shape=jax.ShapeDtypeStruct((_B, 1), jnp.float32),
    )(cm)


def _loss_body(aux_sref, gath_ref, auxn_ref, x_ref, out_ref,
               tgtn_ref, acc_ref):
    j = pl.program_id(1)

    @pl.when(j == 0)
    def _():
        tgtn_ref[...] = _normalize_rows(gath_ref[:, _NBEH - 1, :])

    s = _scores_block(tgtn_ref[...], auxn_ref[...])
    kept = s >= x_ref[...]

    @pl.when(j < _NCB - 1)
    def _():
        contrib = jnp.where(kept, jnp.exp(s * _INV_T), 1.0)
        psum = jnp.sum(contrib, axis=1, keepdims=True)
        acc_ref[...] = jnp.where(j == 0, psum, acc_ref[...] + psum)

    @pl.when(j == _NCB - 1)
    def _():
        col = j * _CB + lax.broadcasted_iota(jnp.int32, (1, _CB), 1)
        valid = col < _N
        contrib = jnp.where(jnp.logical_and(valid, kept), jnp.exp(s * _INV_T),
                            jnp.where(valid, 1.0, 0.0))
        ttl = acc_ref[...] + jnp.sum(contrib, axis=1, keepdims=True)
        a = aux_sref[0]
        gn = _normalize_rows(_select_beh(gath_ref[...], a))
        pos = jnp.sum(tgtn_ref[...] * gn, axis=1, keepdims=True)
        v = jnp.sum(jnp.log(ttl) - pos * _INV_T)
        out_ref[...] = jnp.zeros((1, 8, 128), jnp.float32) + v


def _side_loss_scalar(gath, auxn, x, aux_idx):
    return pl.pallas_call(
        _loss_body,
        grid_spec=pltpu.PrefetchScalarGridSpec(
            num_scalar_prefetch=1,
            grid=(_NRB, _NCB),
            in_specs=[
                pl.BlockSpec((_RB, _NBEH, _D), lambda rb, j, a: (rb, 0, 0)),
                pl.BlockSpec((_CB, _D), lambda rb, j, a: (j, 0)),
                pl.BlockSpec((_RB, 1), lambda rb, j, a: (rb, 0)),
            ],
            out_specs=pl.BlockSpec((1, 8, 128), lambda rb, j, a: (rb, 0, 0)),
            scratch_shapes=[
                pltpu.VMEM((_RB, _D), jnp.float32),
                pltpu.VMEM((_RB, 1), jnp.float32),
            ],
        ),
        out_shape=jax.ShapeDtypeStruct((_NRB, 8, 128), jnp.float32),
    )(aux_idx, gath, auxn, x)


def _one_side(idx, emb, aux_idx):
    gath = _gather_rows(emb, idx)
    auxn = _prep_auxn(emb, aux_idx)
    cm = _chunk_maxima(gath, auxn)
    x = _cutoff(cm)
    return jnp.sum(_side_loss_scalar(gath, auxn, x, aux_idx)[:, 0, 0])


def kernel(input_u_list, input_i_list, ua_embeddings, ia_embeddings, aux_beh):
    aux_idx = jnp.asarray(aux_beh, jnp.int32).reshape(1)
    loss_u = _one_side(input_u_list.astype(jnp.int32), ua_embeddings, aux_idx)
    loss_i = _one_side(input_i_list.astype(jnp.int32), ia_embeddings, aux_idx)
    return (loss_u + loss_i) * jnp.asarray(_REG, jnp.float32)[aux_idx[0]]

# --- scband reference (transcript-rebuilt; emitter-appended) ---
"""Pipeline reference for scband-ssloss2-50440095924603 (READ-ONLY COPY).

The authoritative reference and input builder live on the scoring server;
editing this copy changes nothing except your own understanding.
"""

import jax, jax.numpy as jnp
import numpy as np

N_USERS = 100000
N_ITEMS = 100000
D = 128
N_BEH = 3
B = 4096
SSL_TEMP = 0.1
SSL_REG = [1.0, 1.0, 1.0]
TOPK1_U = 500
TOPK1_I = 500


def _normalize(x, axis=1):
    n = jnp.linalg.norm(x, axis=axis, keepdims=True)
    return x / jnp.maximum(n, 1e-12)


def setup_inputs(seed: int = 0) -> dict:
    key = jax.random.key(seed)
    k1, k2, k3, k4 = jax.random.split(key, 4)
    return {
        "input_u_list": jax.random.randint(k1, (B,), 0, N_USERS, dtype=jnp.int64 if jax.config.read('jax_enable_x64') else jnp.int32),
        "input_i_list": jax.random.randint(k2, (B,), 0, N_ITEMS, dtype=jnp.int64 if jax.config.read('jax_enable_x64') else jnp.int32),
        "ua_embeddings": jax.random.normal(k3, (N_USERS, N_BEH, D), dtype=jnp.float32),
        "ia_embeddings": jax.random.normal(k4, (N_ITEMS, N_BEH, D), dtype=jnp.float32),
        "aux_beh": 0,
    }


def _side_loss(idx, emb, aux_beh, topk1, n):
    emb_tgt = emb[idx, -1, :]
    normalize_emb_tgt = _normalize(emb_tgt, axis=1)
    emb_aux = emb[idx, aux_beh, :]
    normalize_emb_aux = _normalize(emb_aux, axis=1)
    normalize_all_emb_aux = _normalize(emb[:, aux_beh, :], axis=1)
    pos_score = jnp.sum(normalize_emb_tgt * normalize_emb_aux, axis=1)
    ttl_score = normalize_emb_tgt @ normalize_all_emb_aux.T
    k = min(topk1, n)
    values1, _ = jax.lax.top_k(ttl_score, k)
    thresh = values1[:, -1:]
    # select_neg == 1: zero out everything below the top-k threshold
    ttl_score = jnp.where(ttl_score < thresh, 0.0, ttl_score)
    pos_score = jnp.exp(pos_score / SSL_TEMP)
    ttl_sum = jnp.sum(jnp.exp(ttl_score / SSL_TEMP), axis=1)
    return -jnp.sum(jnp.log(pos_score / ttl_sum))


def reference(input_u_list, input_i_list, ua_embeddings, ia_embeddings, aux_beh):
    loss_u = _side_loss(input_u_list, ua_embeddings, aux_beh, TOPK1_U, N_USERS)
    loss_i = _side_loss(input_i_list, ia_embeddings, aux_beh, TOPK1_I, N_ITEMS)
    return (loss_u + loss_i) * jnp.asarray(SSL_REG)[aux_beh]

if __name__ == "__main__":
    import jax
    _d = setup_inputs()
    print(jax.jit(kernel)(*tuple(_d.values())))

</pallas_src>

<mosaic_0001>
#map = affine_map<(d0, d1) -> (0, 0, 0)>
#map1 = affine_map<(d0, d1) -> (0)>
module attributes {stable_mosaic.version = 14 : i64} {
  func.func @gather(%arg0: i32, %arg1: i32, %arg2: memref<100000x3x128xf32, #tpu.memory_space<hbm>>, %arg3: memref<4096xi32, #tpu.memory_space<hbm>>, %arg4: memref<4096x3x128xf32, #tpu.memory_space<hbm>>, %arg5: memref<128xi32, #tpu.memory_space<vmem>>, %arg6: memref<128x3x128xf32, #tpu.memory_space<vmem>>, %arg7: memref<!tpu.dma_semaphore, #tpu.memory_space<semaphore_mem>>) attributes {dimension_semantics = [#tpu.dimension_semantics<core_parallel>, #tpu.dimension_semantics<subcore_parallel>], iteration_bounds = array<i64: 2, 16>, scalar_prefetch = 0 : i64, scratch_operands = 3 : i64, tpu.core_type = #tpu.core_type<sc_vector_subcore>, window_params = [{transform_indices = #map}, {transform_indices = #map1}, {transform_indices = #map}]} {
    %mul3A = arith.constant 2 : i32
    %mul3A_0 = arith.muli %arg1, %mul3A : i32
    %add3A = arith.addi %mul3A_0, %arg0 : i32
    %mul3A_1 = arith.constant 128 : i32
    %mul3A_2 = arith.muli %add3A, %mul3A_1 : i32
    "tpu.region"() ({
      %run_scoped3A = tpu.sem_alloc : memref<!tpu.dma_semaphore, #tpu.memory_space<semaphore_mem>>
      %dma_start3A_9 = tpu.memref_slice %arg3[%mul3A_2] : memref<4096xi32, #tpu.memory_space<hbm>> -> memref<128xi32, #tpu.memory_space<hbm>>
      %dma_start3A_10 = tpu.memref_slice %arg3[%mul3A_2] : memref<4096xi32, #tpu.memory_space<hbm>> -> memref<128xi32, #tpu.memory_space<hbm>>
      tpu.enqueue_dma source(%dma_start3A_10 : memref<128xi32, #tpu.memory_space<hbm>>) target(%arg5 : memref<128xi32, #tpu.memory_space<vmem>>) target_semaphore(%run_scoped3A : memref<!tpu.dma_semaphore, #tpu.memory_space<semaphore_mem>>)
      %dma_wait3A_11 = tpu.memref_slice %arg3[%mul3A_2] : memref<4096xi32, #tpu.memory_space<hbm>> -> memref<128xi32, #tpu.memory_space<hbm>>
      %dma_wait3A_12 = tpu.memref_slice %arg3[%mul3A_2] : memref<4096xi32, #tpu.memory_space<hbm>> -> memref<128xi32, #tpu.memory_space<hbm>>
      tpu.wait_dma2 semaphore(%run_scoped3A : memref<!tpu.dma_semaphore, #tpu.memory_space<semaphore_mem>>) src(%dma_wait3A_12 : memref<128xi32, #tpu.memory_space<hbm>>) dst(%arg5 : memref<128xi32, #tpu.memory_space<vmem>>)
      tpu.yield
    }) : () -> ()
    %dma_start3A = arith.constant 0 : i32
    %dma_start3A_3 = arith.constant 0 : i32
    %dma_start3A_4 = arith.constant 0 : i32
    %dma_start3A_5 = tpu.memref_slice %arg2[%dma_start3A, %dma_start3A_3, %dma_start3A_4] : memref<100000x3x128xf32, #tpu.memory_space<hbm>> -> memref<100000x3x128xf32, #tpu.memory_space<hbm>>
    tpu.enqueue_indirect_dma source(%dma_start3A_5 : memref<100000x3x128xf32, #tpu.memory_space<hbm>>) target(%arg6 : memref<128x3x128xf32, #tpu.memory_space<vmem>>) offsets(%arg5 : memref<128xi32, #tpu.memory_space<vmem>>) semaphore(%arg7 : memref<!tpu.dma_semaphore, #tpu.memory_space<semaphore_mem>>)
    %dma_wait3A = arith.constant 0 : i32
    %dma_wait3A_6 = arith.constant 0 : i32
    %dma_wait3A_7 = arith.constant 0 : i32
    %dma_wait3A_8 = tpu.memref_slice %arg2[%dma_wait3A, %dma_wait3A_6, %dma_wait3A_7] : memref<100000x3x128xf32, #tpu.memory_space<hbm>> -> memref<100000x3x128xf32, #tpu.memory_space<hbm>>
    tpu.wait_indirect_dma semaphore(%arg7 : memref<!tpu.dma_semaphore, #tpu.memory_space<semaphore_mem>>) src(%dma_wait3A_8 : memref<100000x3x128xf32, #tpu.memory_space<hbm>>) dst(%arg6 : memref<128x3x128xf32, #tpu.memory_space<vmem>>)
    "tpu.region"() ({
      %run_scoped3A = tpu.sem_alloc : memref<!tpu.dma_semaphore, #tpu.memory_space<semaphore_mem>>
      %dma_start3A_9 = arith.constant 0 : i32
      %dma_start3A_10 = arith.constant 0 : i32
      %dma_start3A_11 = tpu.memref_slice %arg4[%mul3A_2, %dma_start3A_9, %dma_start3A_10] : memref<4096x3x128xf32, #tpu.memory_space<hbm>> -> memref<128x3x128xf32, #tpu.memory_space<hbm>>
      %dma_start3A_12 = arith.constant 0 : i32
      %dma_start3A_13 = arith.constant 0 : i32
      %dma_start3A_14 = tpu.memref_slice %arg4[%mul3A_2, %dma_start3A_12, %dma_start3A_13] : memref<4096x3x128xf32, #tpu.memory_space<hbm>> -> memref<128x3x128xf32, #tpu.memory_space<hbm>>
      tpu.enqueue_dma source(%arg6 : memref<128x3x128xf32, #tpu.memory_space<vmem>>) target(%dma_start3A_14 : memref<128x3x128xf32, #tpu.memory_space<hbm>>) target_semaphore(%run_scoped3A : memref<!tpu.dma_semaphore, #tpu.memory_space<semaphore_mem>>)
      %dma_wait3A_15 = arith.constant 0 : i32
      %dma_wait3A_16 = arith.constant 0 : i32
      %dma_wait3A_17 = tpu.memref_slice %arg4[%mul3A_2, %dma_wait3A_15, %dma_wait3A_16] : memref<4096x3x128xf32, #tpu.memory_space<hbm>> -> memref<128x3x128xf32, #tpu.memory_space<hbm>>
      %dma_wait3A_18 = arith.constant 0 : i32
      %dma_wait3A_19 = arith.constant 0 : i32
      %dma_wait3A_20 = tpu.memref_slice %arg4[%mul3A_2, %dma_wait3A_18, %dma_wait3A_19] : memref<4096x3x128xf32, #tpu.memory_space<hbm>> -> memref<128x3x128xf32, #tpu.memory_space<hbm>>
      tpu.wait_dma2 semaphore(%run_scoped3A : memref<!tpu.dma_semaphore, #tpu.memory_space<semaphore_mem>>) src(%arg6 : memref<128x3x128xf32, #tpu.memory_space<vmem>>) dst(%dma_wait3A_20 : memref<128x3x128xf32, #tpu.memory_space<hbm>>)
      tpu.yield
    }) : () -> ()
    return
  }
}

#map = affine_map<(d0, d1) -> (0, 0, 0)>
#map1 = affine_map<(d0, d1) -> (0)>
module attributes {stable_mosaic.version = 14 : i64} {
  func.func @gather(%arg0: i32, %arg1: i32, %arg2: memref<100000x3x128xf32, #tpu.memory_space<hbm>>, %arg3: memref<4096xi32, #tpu.memory_space<hbm>>, %arg4: memref<4096x3x128xf32, #tpu.memory_space<hbm>>, %arg5: memref<128xi32, #tpu.memory_space<vmem>>, %arg6: memref<128x3x128xf32, #tpu.memory_space<vmem>>, %arg7: memref<!tpu.dma_semaphore, #tpu.memory_space<semaphore_mem>>) attributes {dimension_semantics = [#tpu.dimension_semantics<core_parallel>, #tpu.dimension_semantics<subcore_parallel>], iteration_bounds = array<i64: 2, 16>, scalar_prefetch = 0 : i64, scratch_operands = 3 : i64, tpu.core_type = #tpu.core_type<sc_vector_subcore>, window_params = [{transform_indices = #map}, {transform_indices = #map1}, {transform_indices = #map}]} {
    %mul3A = arith.constant 2 : i32
    %mul3A_0 = arith.muli %arg1, %mul3A : i32
    %add3A = arith.addi %mul3A_0, %arg0 : i32
    %mul3A_1 = arith.constant 128 : i32
    %mul3A_2 = arith.muli %add3A, %mul3A_1 : i32
    "tpu.region"() ({
      %run_scoped3A = tpu.sem_alloc : memref<!tpu.dma_semaphore, #tpu.memory_space<semaphore_mem>>
      %dma_start3A_9 = tpu.memref_slice %arg3[%mul3A_2] : memref<4096xi32, #tpu.memory_space<hbm>> -> memref<128xi32, #tpu.memory_space<hbm>>
      %dma_start3A_10 = tpu.memref_slice %arg3[%mul3A_2] : memref<4096xi32, #tpu.memory_space<hbm>> -> memref<128xi32, #tpu.memory_space<hbm>>
      tpu.enqueue_dma source(%dma_start3A_10 : memref<128xi32, #tpu.memory_space<hbm>>) target(%arg5 : memref<128xi32, #tpu.memory_space<vmem>>) target_semaphore(%run_scoped3A : memref<!tpu.dma_semaphore, #tpu.memory_space<semaphore_mem>>)
      %dma_wait3A_11 = tpu.memref_slice %arg3[%mul3A_2] : memref<4096xi32, #tpu.memory_space<hbm>> -> memref<128xi32, #tpu.memory_space<hbm>>
      %dma_wait3A_12 = tpu.memref_slice %arg3[%mul3A_2] : memref<4096xi32, #tpu.memory_space<hbm>> -> memref<128xi32, #tpu.memory_space<hbm>>
      tpu.wait_dma2 semaphore(%run_scoped3A : memref<!tpu.dma_semaphore, #tpu.memory_space<semaphore_mem>>) src(%dma_wait3A_12 : memref<128xi32, #tpu.memory_space<hbm>>) dst(%arg5 : memref<128xi32, #tpu.memory_space<vmem>>)
      tpu.yield
    }) : () -> ()
    %dma_start3A = arith.constant 0 : i32
    %dma_start3A_3 = arith.constant 0 : i32
    %dma_start3A_4 = arith.constant 0 : i32
    %dma_start3A_5 = tpu.memref_slice %arg2[%dma_start3A, %dma_start3A_3, %dma_start3A_4] : memref<100000x3x128xf32, #tpu.memory_space<hbm>> -> memref<100000x3x128xf32, #tpu.memory_space<hbm>>
    tpu.enqueue_indirect_dma source(%dma_start3A_5 : memref<100000x3x128xf32, #tpu.memory_space<hbm>>) target(%arg6 : memref<128x3x128xf32, #tpu.memory_space<vmem>>) offsets(%arg5 : memref<128xi32, #tpu.memory_space<vmem>>) semaphore(%arg7 : memref<!tpu.dma_semaphore, #tpu.memory_space<semaphore_mem>>)
    %dma_wait3A = arith.constant 0 : i32
    %dma_wait3A_6 = arith.constant 0 : i32
    %dma_wait3A_7 = arith.constant 0 : i32
    %dma_wait3A_8 = tpu.memref_slice %arg2[%dma_wait3A, %dma_wait3A_6, %dma_wait3A_7] : memref<100000x3x128xf32, #tpu.memory_space<hbm>> -> memref<100000x3x128xf32, #tpu.memory_space<hbm>>
    tpu.wait_indirect_dma semaphore(%arg7 : memref<!tpu.dma_semaphore, #tpu.memory_space<semaphore_mem>>) src(%dma_wait3A_8 : memref<100000x3x128xf32, #tpu.memory_space<hbm>>) dst(%arg6 : memref<128x3x128xf32, #tpu.memory_space<vmem>>)
    "tpu.region"() ({
      %run_scoped3A = tpu.sem_alloc : memref<!tpu.dma_semaphore, #tpu.memory_space<semaphore_mem>>
      %dma_start3A_9 = arith.constant 0 : i32
      %dma_start3A_10 = arith.constant 0 : i32
      %dma_start3A_11 = tpu.memref_slice %arg4[%mul3A_2, %dma_start3A_9, %dma_start3A_10] : memref<4096x3x128xf32, #tpu.memory_space<hbm>> -> memref<128x3x128xf32, #tpu.memory_space<hbm>>
      %dma_start3A_12 = arith.constant 0 : i32
      %dma_start3A_13 = arith.constant 0 : i32
      %dma_start3A_14 = tpu.memref_slice %arg4[%mul3A_2, %dma_start3A_12, %dma_start3A_13] : memref<4096x3x128xf32, #tpu.memory_space<hbm>> -> memref<128x3x128xf32, #tpu.memory_space<hbm>>
      tpu.enqueue_dma source(%arg6 : memref<128x3x128xf32, #tpu.memory_space<vmem>>) target(%dma_start3A_14 : memref<128x3x128xf32, #tpu.memory_space<hbm>>) target_semaphore(%run_scoped3A : memref<!tpu.dma_semaphore, #tpu.memory_space<semaphore_mem>>)
      %dma_wait3A_15 = arith.constant 0 : i32
      %dma_wait3A_16 = arith.constant 0 : i32
      %dma_wait3A_17 = tpu.memref_slice %arg4[%mul3A_2, %dma_wait3A_15, %dma_wait3A_16] : memref<4096x3x128xf32, #tpu.memory_space<hbm>> -> memref<128x3x128xf32, #tpu.memory_space<hbm>>
      %dma_wait3A_18 = arith.constant 0 : i32
      %dma_wait3A_19 = arith.constant 0 : i32
      %dma_wait3A_20 = tpu.memref_slice %arg4[%mul3A_2, %dma_wait3A_18, %dma_wait3A_19] : memref<4096x3x128xf32, #tpu.memory_space<hbm>> -> memref<128x3x128xf32, #tpu.memory_space<hbm>>
      tpu.wait_dma2 semaphore(%run_scoped3A : memref<!tpu.dma_semaphore, #tpu.memory_space<semaphore_mem>>) src(%arg6 : memref<128x3x128xf32, #tpu.memory_space<vmem>>) dst(%dma_wait3A_20 : memref<128x3x128xf32, #tpu.memory_space<hbm>>)
      tpu.yield
    }) : () -> ()
    return
  }
}

module attributes {stable_mosaic.version = 14 : i64} {
  func.func @_prep_body(%arg0: i32, %arg1: memref<1xi32, #tpu.memory_space<smem>>, %arg2: memref<2048x3x128xf32, #tpu.memory_space<vmem>>, %arg3: memref<2048x128xbf16, #tpu.memory_space<vmem>>) attributes {dimension_semantics = [#tpu.dimension_semantics<arbitrary>], iteration_bounds = array<i64: 49>, scalar_prefetch = 1 : i64, scratch_operands = 0 : i64, tpu.core_type = #tpu.core_type<tc>, window_params = [{transform_indices = @transform_0, window_bounds = array<i64: 2048, 3, 128>}, {transform_indices = @transform_1, window_bounds = array<i64: 2048, 128>}]} {
    %get3A = arith.constant 0 : index
    %get3A_0 = memref.load %arg1[%get3A] : memref<1xi32, #tpu.memory_space<smem>>
    %get3A_1 = arith.constant 0 : index
    %get3A_2 = arith.constant 0 : index
    %get3A_3 = arith.constant 0 : index
    %get3A_4 = vector.load %arg2[%get3A_1, %get3A_2, %get3A_3] : memref<2048x3x128xf32, #tpu.memory_space<vmem>>, vector<2048x3x128xf32>
    %eq3A = arith.constant 0 : i32
    %eq3A_5 = arith.cmpi eq, %get3A_0, %eq3A : i32
    %slice3A = vector.extract_strided_slice %get3A_4 {offsets = [0, 0, 0], sizes = [2048, 1, 128], strides = [1, 1, 1]} : vector<2048x3x128xf32> to vector<2048x1x128xf32>
    %squeeze3A = vector.shape_cast %slice3A : vector<2048x1x128xf32> to vector<2048x128xf32>
    %eq3A_6 = arith.constant 1 : i32
    %eq3A_7 = arith.cmpi eq, %get3A_0, %eq3A_6 : i32
    %slice3A_8 = vector.extract_strided_slice %get3A_4 {offsets = [0, 1, 0], sizes = [2048, 1, 128], strides = [1, 1, 1]} : vector<2048x3x128xf32> to vector<2048x1x128xf32>
    %squeeze3A_9 = vector.shape_cast %slice3A_8 : vector<2048x1x128xf32> to vector<2048x128xf32>
    %slice3A_10 = vector.extract_strided_slice %get3A_4 {offsets = [0, 2, 0], sizes = [2048, 1, 128], strides = [1, 1, 1]} : vector<2048x3x128xf32> to vector<2048x1x128xf32>
    %squeeze3A_11 = vector.shape_cast %slice3A_10 : vector<2048x1x128xf32> to vector<2048x128xf32>
    %select_n3A = arith.select %eq3A_7, %squeeze3A_9, %squeeze3A_11 : vector<2048x128xf32>
    %select_n3A_12 = arith.select %eq3A_5, %squeeze3A, %select_n3A : vector<2048x128xf32>
    %mul3A = arith.mulf %select_n3A_12, %select_n3A_12 : vector<2048x128xf32>
    %reduce_sum3A = arith.constant dense<0.000000e+00> : vector<2048xf32>
    %reduce_sum3A_13 = vector.multi_reduction <add>, %mul3A, %reduce_sum3A [1] : vector<2048x128xf32> to vector<2048xf32>
    %broadcast_in_dim3A = vector.shape_cast %reduce_sum3A_13 : vector<2048xf32> to vector<2048x1xf32>
    %max3A = arith.constant 1.000000e-24 : f32
    %max3A_14 = vector.broadcast %max3A : f32 to vector<2048x1xf32>
    %max3A_15 = arith.maximumf %broadcast_in_dim3A, %max3A_14 : vector<2048x1xf32>
    %rsqrt3A = math.rsqrt %max3A_15 : vector<2048x1xf32>
    %mul3A_16 = vector.broadcast %rsqrt3A : vector<2048x1xf32> to vector<2048x128xf32>
    %mul3A_17 = arith.mulf %select_n3A_12, %mul3A_16 : vector<2048x128xf32>
    %convert_element_type3A = arith.truncf %mul3A_17 : vector<2048x128xf32> to vector<2048x128xbf16>
    %swap3A = arith.constant 0 : index
    %swap3A_18 = arith.constant 0 : index
    %swap3A_19 = vector.load %arg3[%swap3A, %swap3A_18] : memref<2048x128xbf16, #tpu.memory_space<vmem>>, vector<2048x128xbf16>
    tpu.vector_store %arg3[%swap3A, %swap3A_18], %convert_element_type3A {strides = array<i32>} : memref<2048x128xbf16, #tpu.memory_space<vmem>>, vector<2048x128xbf16>,
    return
  }
  func.func @transform_0(%arg0: i32, %arg1: memref<1xi32, #tpu.memory_space<smem>>) -> (i32, i32, i32) {
    %c0_i32 = arith.constant 0 : i32
    %c0_i32_0 = arith.constant 0 : i32
    %c0_i32_1 = arith.constant 0 : i32
    return %arg0, %c0_i32, %c0_i32_0 : i32, i32, i32
  }
  func.func @transform_1(%arg0: i32, %arg1: memref<1xi32, #tpu.memory_space<smem>>) -> (i32, i32) {
    %c0_i32 = arith.constant 0 : i32
    %c0_i32_0 = arith.constant 0 : i32
    return %arg0, %c0_i32 : i32, i32
  }
}

module attributes {stable_mosaic.version = 14 : i64} {
  func.func @_cutoff_body(%arg0: i32, %arg1: memref<512x6272xbf16, #tpu.memory_space<vmem>>, %arg2: memref<512x1xf32, #tpu.memory_space<vmem>>) attributes {dimension_semantics = [#tpu.dimension_semantics<arbitrary>], iteration_bounds = array<i64: 8>, scalar_prefetch = 0 : i64, scratch_operands = 0 : i64, tpu.core_type = #tpu.core_type<tc>, window_params = [{transform_indices = @transform_0, window_bounds = array<i64: 512, 6272>}, {transform_indices = @transform_1, window_bounds = array<i64: 512, 1>}]} {
    %get3A = arith.constant 0 : index
    %get3A_0 = arith.constant 0 : index
    %get3A_1 = vector.load %arg1[%get3A, %get3A_0] : memref<512x6272xbf16, #tpu.memory_space<vmem>>, vector<512x6272xbf16>
    %broadcast_in_dim3A = arith.constant -1.001000e+00 : f32
    %broadcast_in_dim3A_2 = vector.broadcast %broadcast_in_dim3A : f32 to vector<512x1xf32>
    %broadcast_in_dim3A_3 = arith.constant 1.001000e+00 : f32
    %broadcast_in_dim3A_4 = vector.broadcast %broadcast_in_dim3A_3 : f32 to vector<512x1xf32>
    %scan3A = arith.constant 0 : i32
    %scan3A_5 = arith.constant 24 : i32
    %scan3A_6 = arith.addi %scan3A, %scan3A_5 : i32
    %scan3A_7 = arith.constant 1 : i32
    %scan3A_8:2 = scf.for %scan3A_11 = %scan3A to %scan3A_6 step %scan3A_7 iter_args(%scan3A_12 = %broadcast_in_dim3A_2, %scan3A_13 = %broadcast_in_dim3A_4) -> (vector<512x1xf32>, vector<512x1xf32>)  : i32 {
      %add3A = arith.addf %scan3A_12, %scan3A_13 : vector<512x1xf32>
      %mul3A = arith.constant 5.000000e-01 : f32
      %mul3A_14 = vector.broadcast %mul3A : f32 to vector<512x1xf32>
      %mul3A_15 = arith.mulf %mul3A_14, %add3A : vector<512x1xf32>
      %convert_element_type3A = arith.truncf %mul3A_15 : vector<512x1xf32> to vector<512x1xbf16>
      %ge3A = vector.broadcast %convert_element_type3A : vector<512x1xbf16> to vector<512x6272xbf16>
      %ge3A_16 = arith.cmpf oge, %get3A_1, %ge3A : vector<512x6272xbf16>
      %convert_element_type3A_17 = arith.extui %ge3A_16 : vector<512x6272xi1> to vector<512x6272xi32>
      %convert_element_type3A_18 = arith.sitofp %convert_element_type3A_17 : vector<512x6272xi32> to vector<512x6272xf32>
      %reduce_sum3A = arith.constant dense<0.000000e+00> : vector<512xf32>
      %reduce_sum3A_19 = vector.multi_reduction <add>, %convert_element_type3A_18, %reduce_sum3A [1] : vector<512x6272xf32> to vector<512xf32>
      %broadcast_in_dim3A_20 = vector.shape_cast %reduce_sum3A_19 : vector<512xf32> to vector<512x1xf32>
      %ge3A_21 = arith.constant 5.000000e+02 : f32
      %ge3A_22 = vector.broadcast %ge3A_21 : f32 to vector<512x1xf32>
      %ge3A_23 = arith.cmpf oge, %broadcast_in_dim3A_20, %ge3A_22 : vector<512x1xf32>
      %select_n3A = arith.select %ge3A_23, %mul3A_15, %scan3A_12 : vector<512x1xi1>, vector<512x1xf32>
      %select_n3A_24 = arith.select %ge3A_23, %scan3A_13, %mul3A_15 : vector<512x1xi1>, vector<512x1xf32>
      scf.yield %select_n3A, %select_n3A_24 : vector<512x1xf32>, vector<512x1xf32>
    }
    %swap3A = arith.constant 0 : index
    %swap3A_9 = arith.constant 0 : index
    %swap3A_10 = vector.load %arg2[%swap3A, %swap3A_9] : memref<512x1xf32, #tpu.memory_space<vmem>>, vector<512x1xf32>
    tpu.vector_store %arg2[%swap3A, %swap3A_9], %scan3A_8#0 {strides = array<i32>} : memref<512x1xf32, #tpu.memory_space<vmem>>, vector<512x1xf32>,
    return
  }
  func.func @transform_0(%arg0: i32) -> (i32, i32) {
    %c0_i32 = arith.constant 0 : i32
    %c0_i32_0 = arith.constant 0 : i32
    return %arg0, %c0_i32 : i32, i32
  }
  func.func @transform_1(%arg0: i32) -> (i32, i32) {
    %c0_i32 = arith.constant 0 : i32
    %c0_i32_0 = arith.constant 0 : i32
    return %arg0, %c0_i32 : i32, i32
  }
}

module attributes {stable_mosaic.version = 14 : i64} {
  func.func @_maxima_body(%arg0: i32, %arg1: i32, %arg2: memref<2048x3x128xf32, #tpu.memory_space<vmem>>, %arg3: memref<2048x128xbf16, #tpu.memory_space<vmem>>, %arg4: memref<2048x128xbf16, #tpu.memory_space<vmem>>, %arg5: memref<2048x128xf32, #tpu.memory_space<vmem>>) attributes {dimension_semantics = [#tpu.dimension_semantics<arbitrary>, #tpu.dimension_semantics<arbitrary>], iteration_bounds = array<i64: 2, 49>, scalar_prefetch = 0 : i64, scratch_operands = 1 : i64, tpu.core_type = #tpu.core_type<tc>, window_params = [{transform_indices = @transform_0, window_bounds = array<i64: 2048, 3, 128>}, {transform_indices = @transform_1, window_bounds = array<i64: 2048, 128>}, {transform_indices = @transform_2, window_bounds = array<i64: 2048, 128>}]} {
    %eq3A = arith.constant 0 : i32
    %eq3A_0 = arith.cmpi eq, %arg1, %eq3A : i32
    %convert_element_type3A = arith.extui %eq3A_0 : i1 to i32
    %cond3A = arith.constant 0 : i32
    %cond3A_1 = arith.cmpi ne, %convert_element_type3A, %cond3A : i32
    scf.if %cond3A_1 {
      %get3A_18 = arith.constant 0 : index
      %get3A_19 = arith.constant 2 : index
      %get3A_20 = arith.constant 0 : index
      %get3A_21 = vector.load %arg2[%get3A_18, %get3A_19, %get3A_20] : memref<2048x3x128xf32, #tpu.memory_space<vmem>>, vector<2048x1x128xf32>
      %get3A_22 = vector.shape_cast %get3A_21 : vector<2048x1x128xf32> to vector<2048x128xf32>
      %mul3A = arith.mulf %get3A_22, %get3A_22 : vector<2048x128xf32>
      %reduce_sum3A = arith.constant dense<0.000000e+00> : vector<2048xf32>
      %reduce_sum3A_23 = vector.multi_reduction <add>, %mul3A, %reduce_sum3A [1] : vector<2048x128xf32> to vector<2048xf32>
      %broadcast_in_dim3A = vector.shape_cast %reduce_sum3A_23 : vector<2048xf32> to vector<2048x1xf32>
      %max3A = arith.constant 1.000000e-24 : f32
      %max3A_24 = vector.broadcast %max3A : f32 to vector<2048x1xf32>
      %max3A_25 = arith.maximumf %broadcast_in_dim3A, %max3A_24 : vector<2048x1xf32>
      %rsqrt3A = math.rsqrt %max3A_25 : vector<2048x1xf32>
      %mul3A_26 = vector.broadcast %rsqrt3A : vector<2048x1xf32> to vector<2048x128xf32>
      %mul3A_27 = arith.mulf %get3A_22, %mul3A_26 : vector<2048x128xf32>
      %swap3A = arith.constant 0 : index
      %swap3A_28 = arith.constant 0 : index
      %swap3A_29 = vector.load %arg5[%swap3A, %swap3A_28] : memref<2048x128xf32, #tpu.memory_space<vmem>>, vector<2048x128xf32>
      tpu.vector_store %arg5[%swap3A, %swap3A_28], %mul3A_27 {strides = array<i32>} : memref<2048x128xf32, #tpu.memory_space<vmem>>, vector<2048x128xf32>,
    } else {
    }
    %get3A = arith.constant 0 : index
    %get3A_2 = arith.constant 0 : index
    %get3A_3 = vector.load %arg5[%get3A, %get3A_2] : memref<2048x128xf32, #tpu.memory_space<vmem>>, vector<2048x128xf32>
    %get3A_4 = arith.constant 0 : index
    %get3A_5 = arith.constant 0 : index
    %get3A_6 = vector.load %arg3[%get3A_4, %get3A_5] : memref<2048x128xbf16, #tpu.memory_space<vmem>>, vector<2048x128xbf16>
    %convert_element_type3A_7 = arith.truncf %get3A_3 : vector<2048x128xf32> to vector<2048x128xbf16>
    %dot_general3A = arith.constant dense<0.000000e+00> : vector<2048x2048xf32>
    %dot_general3A_8 = tpu.matmul %convert_element_type3A_7, %get3A_6, %dot_general3A {dimension_numbers = #tpu.dot_dimension_numbers<[1], [1], [0], [0], [0, 0, 1, 0], [], []>, transpose_lhs_hint = false} : vector<2048x128xbf16>, vector<2048x128xbf16>, vector<2048x2048xf32> -> vector<2048x2048xf32>
    %lt3A = arith.constant 48 : i32
    %lt3A_9 = arith.cmpi slt, %arg1, %lt3A : i32
    %convert_element_type3A_10 = arith.extui %lt3A_9 : i1 to i32
    %cond3A_11 = arith.constant 0 : i32
    %cond3A_12 = arith.cmpi ne, %convert_element_type3A_10, %cond3A_11 : i32
    scf.if %cond3A_12 {
      %slice3A = vector.extract_strided_slice %dot_general3A_8 {offsets = [0, 0], sizes = [2048, 128], strides = [1, 1]} : vector<2048x2048xf32> to vector<2048x128xf32>
      %slice3A_18 = vector.extract_strided_slice %dot_general3A_8 {offsets = [0, 128], sizes = [2048, 128], strides = [1, 1]} : vector<2048x2048xf32> to vector<2048x128xf32>
      %max3A = arith.maximumf %slice3A, %slice3A_18 : vector<2048x128xf32>
      %slice3A_19 = vector.extract_strided_slice %dot_general3A_8 {offsets = [0, 256], sizes = [2048, 128], strides = [1, 1]} : vector<2048x2048xf32> to vector<2048x128xf32>
      %max3A_20 = arith.maximumf %max3A, %slice3A_19 : vector<2048x128xf32>
      %slice3A_21 = vector.extract_strided_slice %dot_general3A_8 {offsets = [0, 384], sizes = [2048, 128], strides = [1, 1]} : vector<2048x2048xf32> to vector<2048x128xf32>
      %max3A_22 = arith.maximumf %max3A_20, %slice3A_21 : vector<2048x128xf32>
      %slice3A_23 = vector.extract_strided_slice %dot_general3A_8 {offsets = [0, 512], sizes = [2048, 128], strides = [1, 1]} : vector<2048x2048xf32> to vector<2048x128xf32>
      %max3A_24 = arith.maximumf %max3A_22, %slice3A_23 : vector<2048x128xf32>
      %slice3A_25 = vector.extract_strided_slice %dot_general3A_8 {offsets = [0, 640], sizes = [2048, 128], strides = [1, 1]} : vector<2048x2048xf32> to vector<2048x128xf32>
      %max3A_26 = arith.maximumf %max3A_24, %slice3A_25 : vector<2048x128xf32>
      %slice3A_27 = vector.extract_strided_slice %dot_general3A_8 {offsets = [0, 768], sizes = [2048, 128], strides = [1, 1]} : vector<2048x2048xf32> to vector<2048x128xf32>
      %max3A_28 = arith.maximumf %max3A_26, %slice3A_27 : vector<2048x128xf32>
      %slice3A_29 = vector.extract_strided_slice %dot_general3A_8 {offsets = [0, 896], sizes = [2048, 128], strides = [1, 1]} : vector<2048x2048xf32> to vector<2048x128xf32>
      %max3A_30 = arith.maximumf %max3A_28, %slice3A_29 : vector<2048x128xf32>
      %slice3A_31 = vector.extract_strided_slice %dot_general3A_8 {offsets = [0, 1024], sizes = [2048, 128], strides = [1, 1]} : vector<2048x2048xf32> to vector<2048x128xf32>
      %max3A_32 = arith.maximumf %max3A_30, %slice3A_31 : vector<2048x128xf32>
      %slice3A_33 = vector.extract_strided_slice %dot_general3A_8 {offsets = [0, 1152], sizes = [2048, 128], strides = [1, 1]} : vector<2048x2048xf32> to vector<2048x128xf32>
      %max3A_34 = arith.maximumf %max3A_32, %slice3A_33 : vector<2048x128xf32>
      %slice3A_35 = vector.extract_strided_slice %dot_general3A_8 {offsets = [0, 1280], sizes = [2048, 128], strides = [1, 1]} : vector<2048x2048xf32> to vector<2048x128xf32>
      %max3A_36 = arith.maximumf %max3A_34, %slice3A_35 : vector<2048x128xf32>
      %slice3A_37 = vector.extract_strided_slice %dot_general3A_8 {offsets = [0, 1408], sizes = [2048, 128], strides = [1, 1]} : vector<2048x2048xf32> to vector<2048x128xf32>
      %max3A_38 = arith.maximumf %max3A_36, %slice3A_37 : vector<2048x128xf32>
      %slice3A_39 = vector.extract_strided_slice %dot_general3A_8 {offsets = [0, 1536], sizes = [2048, 128], strides = [1, 1]} : vector<2048x2048xf32> to vector<2048x128xf32>
      %max3A_40 = arith.maximumf %max3A_38, %slice3A_39 : vector<2048x128xf32>
      %slice3A_41 = vector.extract_strided_slice %dot_general3A_8 {offsets = [0, 1664], sizes = [2048, 128], strides = [1, 1]} : vector<2048x2048xf32> to vector<2048x128xf32>
      %max3A_42 = arith.maximumf %max3A_40, %slice3A_41 : vector<2048x128xf32>
      %slice3A_43 = vector.extract_strided_slice %dot_general3A_8 {offsets = [0, 1792], sizes = [2048, 128], strides = [1, 1]} : vector<2048x2048xf32> to vector<2048x128xf32>
      %max3A_44 = arith.maximumf %max3A_42, %slice3A_43 : vector<2048x128xf32>
      %slice3A_45 = vector.extract_strided_slice %dot_general3A_8 {offsets = [0, 1920], sizes = [2048, 128], strides = [1, 1]} : vector<2048x2048xf32> to vector<2048x128xf32>
      %max3A_46 = arith.maximumf %max3A_44, %slice3A_45 : vector<2048x128xf32>
      %convert_element_type3A_47 = arith.truncf %max3A_46 : vector<2048x128xf32> to vector<2048x128xbf16>
      %swap3A = arith.constant 0 : index
      %swap3A_48 = arith.constant 0 : index
      %swap3A_49 = vector.load %arg4[%swap3A, %swap3A_48] : memref<2048x128xbf16, #tpu.memory_space<vmem>>, vector<2048x128xbf16>
      tpu.vector_store %arg4[%swap3A, %swap3A_48], %convert_element_type3A_47 {strides = array<i32>} : memref<2048x128xbf16, #tpu.memory_space<vmem>>, vector<2048x128xbf16>,
    } else {
    }
    %eq3A_13 = arith.constant 48 : i32
    %eq3A_14 = arith.cmpi eq, %arg1, %eq3A_13 : i32
    %convert_element_type3A_15 = arith.extui %eq3A_14 : i1 to i32
    %cond3A_16 = arith.constant 0 : i32
    %cond3A_17 = arith.cmpi ne, %convert_element_type3A_15, %cond3A_16 : i32
    scf.if %cond3A_17 {
      %mul3A = arith.constant 2048 : i32
      %mul3A_18 = arith.muli %arg1, %mul3A : i32
      %iota3A = tpu.iota {dimensions = array<i32: 1>} : vector<1x2048xi32>
      %add3A = vector.broadcast %mul3A_18 : i32 to vector<1x2048xi32>
      %add3A_19 = arith.addi %add3A, %iota3A : vector<1x2048xi32>
      %lt3A_20 = arith.constant 100000 : i32
      %lt3A_21 = vector.broadcast %lt3A_20 : i32 to vector<1x2048xi32>
      %lt3A_22 = arith.cmpi slt, %add3A_19, %lt3A_21 : vector<1x2048xi32>
      %jit3A = arith.constant -3.000000e+00 : f32
      %broadcast_in_dim3A = vector.shape_cast %lt3A_22 : vector<1x2048xi1> to vector<1x2048xi1>
      %broadcast_in_dim3A_23 = vector.broadcast %broadcast_in_dim3A : vector<1x2048xi1> to vector<2048x2048xi1>
      %broadcast_in_dim3A_24 = vector.broadcast %jit3A : f32 to vector<2048x2048xf32>
      %select_n3A = arith.select %broadcast_in_dim3A_23, %dot_general3A_8, %broadcast_in_dim3A_24 : vector<2048x2048xi1>, vector<2048x2048xf32>
      %slice3A = vector.extract_strided_slice %select_n3A {offsets = [0, 0], sizes = [2048, 128], strides = [1, 1]} : vector<2048x2048xf32> to vector<2048x128xf32>
      %slice3A_25 = vector.extract_strided_slice %select_n3A {offsets = [0, 128], sizes = [2048, 128], strides = [1, 1]} : vector<2048x2048xf32> to vector<2048x128xf32>
      %max3A = arith.maximumf %slice3A, %slice3A_25 : vector<2048x128xf32>
      %slice3A_26 = vector.extract_strided_slice %select_n3A {offsets = [0, 256], sizes = [2048, 128], strides = [1, 1]} : vector<2048x2048xf32> to vector<2048x128xf32>
      %max3A_27 = arith.maximumf %max3A, %slice3A_26 : vector<2048x128xf32>
      %slice3A_28 = vector.extract_strided_slice %select_n3A {offsets = [0, 384], sizes = [2048, 128], strides = [1, 1]} : vector<2048x2048xf32> to vector<2048x128xf32>
      %max3A_29 = arith.maximumf %max3A_27, %slice3A_28 : vector<2048x128xf32>
      %slice3A_30 = vector.extract_strided_slice %select_n3A {offsets = [0, 512], sizes = [2048, 128], strides = [1, 1]} : vector<2048x2048xf32> to vector<2048x128xf32>
      %max3A_31 = arith.maximumf %max3A_29, %slice3A_30 : vector<2048x128xf32>
      %slice3A_32 = vector.extract_strided_slice %select_n3A {offsets = [0, 640], sizes = [2048, 128], strides = [1, 1]} : vector<2048x2048xf32> to vector<2048x128xf32>
      %max3A_33 = arith.maximumf %max3A_31, %slice3A_32 : vector<2048x128xf32>
      %slice3A_34 = vector.extract_strided_slice %select_n3A {offsets = [0, 768], sizes = [2048, 128], strides = [1, 1]} : vector<2048x2048xf32> to vector<2048x128xf32>
      %max3A_35 = arith.maximumf %max3A_33, %slice3A_34 : vector<2048x128xf32>
      %slice3A_36 = vector.extract_strided_slice %select_n3A {offsets = [0, 896], sizes = [2048, 128], strides = [1, 1]} : vector<2048x2048xf32> to vector<2048x128xf32>
      %max3A_37 = arith.maximumf %max3A_35, %slice3A_36 : vector<2048x128xf32>
      %slice3A_38 = vector.extract_strided_slice %select_n3A {offsets = [0, 1024], sizes = [2048, 128], strides = [1, 1]} : vector<2048x2048xf32> to vector<2048x128xf32>
      %max3A_39 = arith.maximumf %max3A_37, %slice3A_38 : vector<2048x128xf32>
      %slice3A_40 = vector.extract_strided_slice %select_n3A {offsets = [0, 1152], sizes = [2048, 128], strides = [1, 1]} : vector<2048x2048xf32> to vector<2048x128xf32>
      %max3A_41 = arith.maximumf %max3A_39, %slice3A_40 : vector<2048x128xf32>
      %slice3A_42 = vector.extract_strided_slice %select_n3A {offsets = [0, 1280], sizes = [2048, 128], strides = [1, 1]} : vector<2048x2048xf32> to vector<2048x128xf32>
      %max3A_43 = arith.maximumf %max3A_41, %slice3A_42 : vector<2048x128xf32>
      %slice3A_44 = vector.extract_strided_slice %select_n3A {offsets = [0, 1408], sizes = [2048, 128], strides = [1, 1]} : vector<2048x2048xf32> to vector<2048x128xf32>
      %max3A_45 = arith.maximumf %max3A_43, %slice3A_44 : vector<2048x128xf32>
      %slice3A_46 = vector.extract_strided_slice %select_n3A {offsets = [0, 1536], sizes = [2048, 128], strides = [1, 1]} : vector<2048x2048xf32> to vector<2048x128xf32>
      %max3A_47 = arith.maximumf %max3A_45, %slice3A_46 : vector<2048x128xf32>
      %slice3A_48 = vector.extract_strided_slice %select_n3A {offsets = [0, 1664], sizes = [2048, 128], strides = [1, 1]} : vector<2048x2048xf32> to vector<2048x128xf32>
      %max3A_49 = arith.maximumf %max3A_47, %slice3A_48 : vector<2048x128xf32>
      %slice3A_50 = vector.extract_strided_slice %select_n3A {offsets = [0, 1792], sizes = [2048, 128], strides = [1, 1]} : vector<2048x2048xf32> to vector<2048x128xf32>
      %max3A_51 = arith.maximumf %max3A_49, %slice3A_50 : vector<2048x128xf32>
      %slice3A_52 = vector.extract_strided_slice %select_n3A {offsets = [0, 1920], sizes = [2048, 128], strides = [1, 1]} : vector<2048x2048xf32> to vector<2048x128xf32>
      %max3A_53 = arith.maximumf %max3A_51, %slice3A_52 : vector<2048x128xf32>
      %convert_element_type3A_54 = arith.truncf %max3A_53 : vector<2048x128xf32> to vector<2048x128xbf16>
      %swap3A = arith.constant 0 : index
      %swap3A_55 = arith.constant 0 : index
      %swap3A_56 = vector.load %arg4[%swap3A, %swap3A_55] : memref<2048x128xbf16, #tpu.memory_space<vmem>>, vector<2048x128xbf16>
      tpu.vector_store %arg4[%swap3A, %swap3A_55], %convert_element_type3A_54 {strides = array<i32>} : memref<2048x128xbf16, #tpu.memory_space<vmem>>, vector<2048x128xbf16>,
    } else {
    }
    return
  }
  func.func @transform_0(%arg0: i32, %arg1: i32) -> (i32, i32, i32) {
    %c0_i32 = arith.constant 0 : i32
    %c0_i32_0 = arith.constant 0 : i32
    %c0_i32_1 = arith.constant 0 : i32
    return %arg0, %c0_i32, %c0_i32_0 : i32, i32, i32
  }
  func.func @transform_1(%arg0: i32, %arg1: i32) -> (i32, i32) {
    %c0_i32 = arith.constant 0 : i32
    %c0_i32_0 = arith.constant 0 : i32
    return %arg1, %c0_i32 : i32, i32
  }
  func.func @transform_2(%arg0: i32, %arg1: i32) -> (i32, i32) {
    %c0_i32 = arith.constant 0 : i32
    return %arg0, %arg1 : i32, i32
  }
}

module attributes {stable_mosaic.version = 14 : i64} {
  func.func @_loss_body(%arg0: i32, %arg1: i32, %arg2: memref<1xi32, #tpu.memory_space<smem>>, %arg3: memref<2048x3x128xf32, #tpu.memory_space<vmem>>, %arg4: memref<2048x128xbf16, #tpu.memory_space<vmem>>, %arg5: memref<2048x1xf32, #tpu.memory_space<vmem>>, %arg6: memref<1x8x128xf32, #tpu.memory_space<vmem>>, %arg7: memref<2048x128xf32, #tpu.memory_space<vmem>>, %arg8: memref<2048x1xf32, #tpu.memory_space<vmem>>) attributes {dimension_semantics = [#tpu.dimension_semantics<arbitrary>, #tpu.dimension_semantics<arbitrary>], iteration_bounds = array<i64: 2, 49>, scalar_prefetch = 1 : i64, scratch_operands = 2 : i64, tpu.core_type = #tpu.core_type<tc>, window_params = [{transform_indices = @transform_0, window_bounds = array<i64: 2048, 3, 128>}, {transform_indices = @transform_1, window_bounds = array<i64: 2048, 128>}, {transform_indices = @transform_2, window_bounds = array<i64: 2048, 1>}, {transform_indices = @transform_3, window_bounds = array<i64: 1, 8, 128>}]} {
    %eq3A = arith.constant 0 : i32
    %eq3A_0 = arith.cmpi eq, %arg1, %eq3A : i32
    %convert_element_type3A = arith.extui %eq3A_0 : i1 to i32
    %cond3A = arith.constant 0 : i32
    %cond3A_1 = arith.cmpi ne, %convert_element_type3A, %cond3A : i32
    scf.if %cond3A_1 {
      %get3A_22 = arith.constant 0 : index
      %get3A_23 = arith.constant 2 : index
      %get3A_24 = arith.constant 0 : index
      %get3A_25 = vector.load %arg3[%get3A_22, %get3A_23, %get3A_24] : memref<2048x3x128xf32, #tpu.memory_space<vmem>>, vector<2048x1x128xf32>
      %get3A_26 = vector.shape_cast %get3A_25 : vector<2048x1x128xf32> to vector<2048x128xf32>
      %mul3A = arith.mulf %get3A_26, %get3A_26 : vector<2048x128xf32>
      %reduce_sum3A = arith.constant dense<0.000000e+00> : vector<2048xf32>
      %reduce_sum3A_27 = vector.multi_reduction <add>, %mul3A, %reduce_sum3A [1] : vector<2048x128xf32> to vector<2048xf32>
      %broadcast_in_dim3A = vector.shape_cast %reduce_sum3A_27 : vector<2048xf32> to vector<2048x1xf32>
      %max3A = arith.constant 1.000000e-24 : f32
      %max3A_28 = vector.broadcast %max3A : f32 to vector<2048x1xf32>
      %max3A_29 = arith.maximumf %broadcast_in_dim3A, %max3A_28 : vector<2048x1xf32>
      %rsqrt3A = math.rsqrt %max3A_29 : vector<2048x1xf32>
      %mul3A_30 = vector.broadcast %rsqrt3A : vector<2048x1xf32> to vector<2048x128xf32>
      %mul3A_31 = arith.mulf %get3A_26, %mul3A_30 : vector<2048x128xf32>
      %swap3A = arith.constant 0 : index
      %swap3A_32 = arith.constant 0 : index
      %swap3A_33 = vector.load %arg7[%swap3A, %swap3A_32] : memref<2048x128xf32, #tpu.memory_space<vmem>>, vector<2048x128xf32>
      tpu.vector_store %arg7[%swap3A, %swap3A_32], %mul3A_31 {strides = array<i32>} : memref<2048x128xf32, #tpu.memory_space<vmem>>, vector<2048x128xf32>,
    } else {
    }
    %get3A = arith.constant 0 : index
    %get3A_2 = arith.constant 0 : index
    %get3A_3 = vector.load %arg7[%get3A, %get3A_2] : memref<2048x128xf32, #tpu.memory_space<vmem>>, vector<2048x128xf32>
    %get3A_4 = arith.constant 0 : index
    %get3A_5 = arith.constant 0 : index
    %get3A_6 = vector.load %arg4[%get3A_4, %get3A_5] : memref<2048x128xbf16, #tpu.memory_space<vmem>>, vector<2048x128xbf16>
    %convert_element_type3A_7 = arith.truncf %get3A_3 : vector<2048x128xf32> to vector<2048x128xbf16>
    %dot_general3A = arith.constant dense<0.000000e+00> : vector<2048x2048xf32>
    %dot_general3A_8 = tpu.matmul %convert_element_type3A_7, %get3A_6, %dot_general3A {dimension_numbers = #tpu.dot_dimension_numbers<[1], [1], [0], [0], [0, 0, 1, 0], [], []>, transpose_lhs_hint = false} : vector<2048x128xbf16>, vector<2048x128xbf16>, vector<2048x2048xf32> -> vector<2048x2048xf32>
    %get3A_9 = arith.constant 0 : index
    %get3A_10 = arith.constant 0 : index
    %get3A_11 = vector.load %arg5[%get3A_9, %get3A_10] : memref<2048x1xf32, #tpu.memory_space<vmem>>, vector<2048x1xf32>
    %ge3A = vector.broadcast %get3A_11 : vector<2048x1xf32> to vector<2048x2048xf32>
    %ge3A_12 = arith.cmpf oge, %dot_general3A_8, %ge3A : vector<2048x2048xf32>
    %lt3A = arith.constant 48 : i32
    %lt3A_13 = arith.cmpi slt, %arg1, %lt3A : i32
    %convert_element_type3A_14 = arith.extui %lt3A_13 : i1 to i32
    %cond3A_15 = arith.constant 0 : i32
    %cond3A_16 = arith.cmpi ne, %convert_element_type3A_14, %cond3A_15 : i32
    scf.if %cond3A_16 {
      %mul3A = arith.constant 1.000000e+01 : f32
      %mul3A_22 = vector.broadcast %mul3A : f32 to vector<2048x2048xf32>
      %mul3A_23 = arith.mulf %dot_general3A_8, %mul3A_22 : vector<2048x2048xf32>
      %exp3A = math.exp %mul3A_23 : vector<2048x2048xf32>
      %jit3A = arith.constant 1.000000e+00 : f32
      %broadcast_in_dim3A = vector.broadcast %jit3A : f32 to vector<2048x2048xf32>
      %select_n3A = arith.select %ge3A_12, %exp3A, %broadcast_in_dim3A : vector<2048x2048xi1>, vector<2048x2048xf32>
      %reduce_sum3A = arith.constant dense<0.000000e+00> : vector<2048xf32>
      %reduce_sum3A_24 = vector.multi_reduction <add>, %select_n3A, %reduce_sum3A [1] : vector<2048x2048xf32> to vector<2048xf32>
      %broadcast_in_dim3A_25 = vector.shape_cast %reduce_sum3A_24 : vector<2048xf32> to vector<2048x1xf32>
      %eq3A_26 = arith.constant 0 : i32
      %eq3A_27 = arith.cmpi eq, %arg1, %eq3A_26 : i32
      %get3A_28 = arith.constant 0 : index
      %get3A_29 = arith.constant 0 : index
      %get3A_30 = vector.load %arg8[%get3A_28, %get3A_29] : memref<2048x1xf32, #tpu.memory_space<vmem>>, vector<2048x1xf32>
      %add3A = arith.addf %get3A_30, %broadcast_in_dim3A_25 : vector<2048x1xf32>
      %select_n3A_31 = arith.select %eq3A_27, %broadcast_in_dim3A_25, %add3A : vector<2048x1xf32>
      %swap3A = arith.constant 0 : index
      %swap3A_32 = arith.constant 0 : index
      %swap3A_33 = vector.load %arg8[%swap3A, %swap3A_32] : memref<2048x1xf32, #tpu.memory_space<vmem>>, vector<2048x1xf32>
      tpu.vector_store %arg8[%swap3A, %swap3A_32], %select_n3A_31 {strides = array<i32>} : memref<2048x1xf32, #tpu.memory_space<vmem>>, vector<2048x1xf32>,
    } else {
    }
    %eq3A_17 = arith.constant 48 : i32
    %eq3A_18 = arith.cmpi eq, %arg1, %eq3A_17 : i32
    %convert_element_type3A_19 = arith.extui %eq3A_18 : i1 to i32
    %cond3A_20 = arith.constant 0 : i32
    %cond3A_21 = arith.cmpi ne, %convert_element_type3A_19, %cond3A_20 : i32
    scf.if %cond3A_21 {
      %mul3A = arith.constant 2048 : i32
      %mul3A_22 = arith.muli %arg1, %mul3A : i32
      %iota3A = tpu.iota {dimensions = array<i32: 1>} : vector<1x2048xi32>
      %add3A = vector.broadcast %mul3A_22 : i32 to vector<1x2048xi32>
      %add3A_23 = arith.addi %add3A, %iota3A : vector<1x2048xi32>
      %lt3A_24 = arith.constant 100000 : i32
      %lt3A_25 = vector.broadcast %lt3A_24 : i32 to vector<1x2048xi32>
      %lt3A_26 = arith.cmpi slt, %add3A_23, %lt3A_25 : vector<1x2048xi32>
      %and3A = vector.broadcast %lt3A_26 : vector<1x2048xi1> to vector<2048x2048xi1>
      %and3A_27 = arith.andi %and3A, %ge3A_12 : vector<2048x2048xi1>
      %mul3A_28 = arith.constant 1.000000e+01 : f32
      %mul3A_29 = vector.broadcast %mul3A_28 : f32 to vector<2048x2048xf32>
      %mul3A_30 = arith.mulf %dot_general3A_8, %mul3A_29 : vector<2048x2048xf32>
      %exp3A = math.exp %mul3A_30 : vector<2048x2048xf32>
      %jit3A = arith.constant 1.000000e+00 : f32
      %jit3A_31 = arith.constant 0.000000e+00 : f32
      %broadcast_in_dim3A = vector.broadcast %jit3A : f32 to vector<1x2048xf32>
      %broadcast_in_dim3A_32 = vector.broadcast %jit3A_31 : f32 to vector<1x2048xf32>
      %select_n3A = arith.select %lt3A_26, %broadcast_in_dim3A, %broadcast_in_dim3A_32 : vector<1x2048xi1>, vector<1x2048xf32>
      %broadcast_in_dim3A_33 = vector.shape_cast %select_n3A : vector<1x2048xf32> to vector<1x2048xf32>
      %broadcast_in_dim3A_34 = vector.broadcast %broadcast_in_dim3A_33 : vector<1x2048xf32> to vector<2048x2048xf32>
      %select_n3A_35 = arith.select %and3A_27, %exp3A, %broadcast_in_dim3A_34 : vector<2048x2048xi1>, vector<2048x2048xf32>
      %get3A_36 = arith.constant 0 : index
      %get3A_37 = arith.constant 0 : index
      %get3A_38 = vector.load %arg8[%get3A_36, %get3A_37] : memref<2048x1xf32, #tpu.memory_space<vmem>>, vector<2048x1xf32>
      %reduce_sum3A = arith.constant dense<0.000000e+00> : vector<2048xf32>
      %reduce_sum3A_39 = vector.multi_reduction <add>, %select_n3A_35, %reduce_sum3A [1] : vector<2048x2048xf32> to vector<2048xf32>
      %broadcast_in_dim3A_40 = vector.shape_cast %reduce_sum3A_39 : vector<2048xf32> to vector<2048x1xf32>
      %add3A_41 = arith.addf %get3A_38, %broadcast_in_dim3A_40 : vector<2048x1xf32>
      %get3A_42 = arith.constant 0 : index
      %get3A_43 = memref.load %arg2[%get3A_42] : memref<1xi32, #tpu.memory_space<smem>>
      %get3A_44 = arith.constant 0 : index
      %get3A_45 = arith.constant 0 : index
      %get3A_46 = arith.constant 0 : index
      %get3A_47 = vector.load %arg3[%get3A_44, %get3A_45, %get3A_46] : memref<2048x3x128xf32, #tpu.memory_space<vmem>>, vector<2048x3x128xf32>
      %eq3A_48 = arith.constant 0 : i32
      %eq3A_49 = arith.cmpi eq, %get3A_43, %eq3A_48 : i32
      %slice3A = vector.extract_strided_slice %get3A_47 {offsets = [0, 0, 0], sizes = [2048, 1, 128], strides = [1, 1, 1]} : vector<2048x3x128xf32> to vector<2048x1x128xf32>
      %squeeze3A = vector.shape_cast %slice3A : vector<2048x1x128xf32> to vector<2048x128xf32>
      %eq3A_50 = arith.constant 1 : i32
      %eq3A_51 = arith.cmpi eq, %get3A_43, %eq3A_50 : i32
      %slice3A_52 = vector.extract_strided_slice %get3A_47 {offsets = [0, 1, 0], sizes = [2048, 1, 128], strides = [1, 1, 1]} : vector<2048x3x128xf32> to vector<2048x1x128xf32>
      %squeeze3A_53 = vector.shape_cast %slice3A_52 : vector<2048x1x128xf32> to vector<2048x128xf32>
      %slice3A_54 = vector.extract_strided_slice %get3A_47 {offsets = [0, 2, 0], sizes = [2048, 1, 128], strides = [1, 1, 1]} : vector<2048x3x128xf32> to vector<2048x1x128xf32>
      %squeeze3A_55 = vector.shape_cast %slice3A_54 : vector<2048x1x128xf32> to vector<2048x128xf32>
      %select_n3A_56 = arith.select %eq3A_51, %squeeze3A_53, %squeeze3A_55 : vector<2048x128xf32>
      %select_n3A_57 = arith.select %eq3A_49, %squeeze3A, %select_n3A_56 : vector<2048x128xf32>
      %mul3A_58 = arith.mulf %select_n3A_57, %select_n3A_57 : vector<2048x128xf32>
      %reduce_sum3A_59 = arith.constant dense<0.000000e+00> : vector<2048xf32>
      %reduce_sum3A_60 = vector.multi_reduction <add>, %mul3A_58, %reduce_sum3A_59 [1] : vector<2048x128xf32> to vector<2048xf32>
      %broadcast_in_dim3A_61 = vector.shape_cast %reduce_sum3A_60 : vector<2048xf32> to vector<2048x1xf32>
      %max3A = arith.constant 1.000000e-24 : f32
      %max3A_62 = vector.broadcast %max3A : f32 to vector<2048x1xf32>
      %max3A_63 = arith.maximumf %broadcast_in_dim3A_61, %max3A_62 : vector<2048x1xf32>
      %rsqrt3A = math.rsqrt %max3A_63 : vector<2048x1xf32>
      %mul3A_64 = vector.broadcast %rsqrt3A : vector<2048x1xf32> to vector<2048x128xf32>
      %mul3A_65 = arith.mulf %select_n3A_57, %mul3A_64 : vector<2048x128xf32>
      %get3A_66 = arith.constant 0 : index
      %get3A_67 = arith.constant 0 : index
      %get3A_68 = vector.load %arg7[%get3A_66, %get3A_67] : memref<2048x128xf32, #tpu.memory_space<vmem>>, vector<2048x128xf32>
      %mul3A_69 = arith.mulf %get3A_68, %mul3A_65 : vector<2048x128xf32>
      %reduce_sum3A_70 = arith.constant dense<0.000000e+00> : vector<2048xf32>
      %reduce_sum3A_71 = vector.multi_reduction <add>, %mul3A_69, %reduce_sum3A_70 [1] : vector<2048x128xf32> to vector<2048xf32>
      %broadcast_in_dim3A_72 = vector.shape_cast %reduce_sum3A_71 : vector<2048xf32> to vector<2048x1xf32>
      %log3A = math.log %add3A_41 : vector<2048x1xf32>
      %mul3A_73 = arith.constant 1.000000e+01 : f32
      %mul3A_74 = vector.broadcast %mul3A_73 : f32 to vector<2048x1xf32>
      %mul3A_75 = arith.mulf %broadcast_in_dim3A_72, %mul3A_74 : vector<2048x1xf32>
      %sub3A = arith.subf %log3A, %mul3A_75 : vector<2048x1xf32>
      %reduce_sum3A_76 = vector.shape_cast %sub3A : vector<2048x1xf32> to vector<1x2048x1xf32>
      %reduce_sum3A_77 = arith.constant dense<0.000000e+00> : vector<1xf32>
      %reduce_sum3A_78 = vector.multi_reduction <add>, %reduce_sum3A_76, %reduce_sum3A_77 [1, 2] : vector<1x2048x1xf32> to vector<1xf32>
      %reduce_sum3A_79 = vector.shape_cast %reduce_sum3A_78 : vector<1xf32> to vector<1x1x1xf32>
      %reduce_sum3A_80 = vector.extract %reduce_sum3A_79[0, 0, 0] : f32 from vector<1x1x1xf32>
      %broadcast_in_dim3A_81 = arith.constant 0.000000e+00 : f32
      %broadcast_in_dim3A_82 = vector.broadcast %broadcast_in_dim3A_81 : f32 to vector<1x8x128xf32>
      %add3A_83 = vector.broadcast %reduce_sum3A_80 : f32 to vector<1x8x128xf32>
      %add3A_84 = arith.addf %broadcast_in_dim3A_82, %add3A_83 : vector<1x8x128xf32>
      %swap3A = arith.constant 0 : index
      %swap3A_85 = arith.constant 0 : index
      %swap3A_86 = arith.constant 0 : index
      %swap3A_87 = vector.load %arg6[%swap3A, %swap3A_85, %swap3A_86] : memref<1x8x128xf32, #tpu.memory_space<vmem>>, vector<1x8x128xf32>
      tpu.vector_store %arg6[%swap3A, %swap3A_85, %swap3A_86], %add3A_84 {strides = array<i32>} : memref<1x8x128xf32, #tpu.memory_space<vmem>>, vector<1x8x128xf32>,
    } else {
    }
    return
  }
  func.func @transform_0(%arg0: i32, %arg1: i32, %arg2: memref<1xi32, #tpu.memory_space<smem>>) -> (i32, i32, i32) {
    %c0_i32 = arith.constant 0 : i32
    %c0_i32_0 = arith.constant 0 : i32
    %c0_i32_1 = arith.constant 0 : i32
    return %arg0, %c0_i32, %c0_i32_0 : i32, i32, i32
  }
  func.func @transform_1(%arg0: i32, %arg1: i32, %arg2: memref<1xi32, #tpu.memory_space<smem>>) -> (i32, i32) {
    %c0_i32 = arith.constant 0 : i32
    %c0_i32_0 = arith.constant 0 : i32
    return %arg1, %c0_i32 : i32, i32
  }
  func.func @transform_2(%arg0: i32, %arg1: i32, %arg2: memref<1xi32, #tpu.memory_space<smem>>) -> (i32, i32) {
    %c0_i32 = arith.constant 0 : i32
    %c0_i32_0 = arith.constant 0 : i32
    return %arg0, %c0_i32 : i32, i32
  }
  func.func @transform_3(%arg0: i32, %arg1: i32, %arg2: memref<1xi32, #tpu.memory_space<smem>>) -> (i32, i32, i32) {
    %c0_i32 = arith.constant 0 : i32
    %c0_i32_0 = arith.constant 0 : i32
    %c0_i32_1 = arith.constant 0 : i32
    return %arg0, %c0_i32, %c0_i32_0 : i32, i32, i32
  }
}

</mosaic_0001>

<sc_bundles>
// kernel: kernel.12.cloned.1.call-start
scs
__scs_entry_jumppad:
0x0: {  	(pc) =	sbr.rel $0x88, $3  }
0x1: {  	(tag) =	ssettag $0x0;
	lr =	simm.s32 $0x1  }
0x2: {  	[smem:$0x3F9C] =	sst lr;
	_ =	strace $0xD0000000  }
0x3: {  	_ = 	snop  }
0x4: {  	_ = 	snop  }
0x5: {  	_ = 	snop  }
0x6: {  	_ = 	snop  }
0x7: {  	_ = 	snop  }
__scs_overlays_trampoline_lowered:
0x8: {  	[smem:$0x3FAB] =	sst s0  }
0x9: {  	[smem:$0x3FAC] =	sst s1  }
0xa: {  	[smem:$0x3FAD] =	sst s2  }
0xb: {  	[smem:$0x3FAE] =	sst s3  }
0xc: {  	[smem:$0x3FAF] =	sst s4  }
0xd: {  	[smem:$0x3FB0] =	sst s5  }
0xe: {  	[smem:$0x3FB1] =	sst s6  }
0xf: {  	[smem:$0x3FB2] =	sst s7  }
0x10: {  	[smem:$0x3FB3] =	sst s8  }
0x11: {  	[smem:$0x3FB4] =	sst s9;
	s0 =	simm.s32 @!p0 $0x0  }
0x12: {  	s1 =	sld [smem:$0x3F9A];
	s0 =	simm.s32 @p0 $0x1  }
0x13: {  	[smem:$0x3FB5] =	sst s0;
	s0 =	simm.s32 @!p1 $0x0  }
0x14: {  	s2 =	sld [smem:$0x3F99];
	s0 =	simm.s32 @p1 $0x1  }
0x15: {  	[smem:$0x3FB6] =	sst s0;
	s0 =	simm.s32 @!p2 $0x0  }
0x16: {  	s3 =	sld [smem:$0x3FDB];
	s0 =	simm.s32 @p2 $0x1  }
0x17: {  	s4 =	simm.s32 $0x1BF5;
	[smem:$0x3FB8] =	sst s0  }
0x18: {  	s0 =	sld [smem:$0x3F9B];
	_ =	swait.ge [sflag:s4], $0x0  }
0x19: {  	s7 =	sld [smem:$0x3F9C]  }
0x1a: {  	s8 =	sadd.s32 $0xFFFFE003, lr  }
0x1b: {  	s9 =	sadd.s32 $0xFFFFFEF7, lr;
	s5 =	simm.s32 $0xFFFFFFFF;
	p2 =	slt.u32 s8, $0xFFFFF086  }
0x1c: {  	p1 =	slt.u32 s9, $0xF7A;
	s5 =	simm.s32 @!p2 $0x0  }
0x1d: {  	s5 =	simm.s32 @p1 $0x1;
	p0 =	seq.s32 s7, s2  }
0x1e: {  	s7 =	smul.u32 @!p0 $0xF7A, s2;
	p2 =	seq.s32 @!p0 s5, $0x0  }
0x1f: {  	s9 =	smul.u32 $0xF7A, s1;
	s8 =	simm.s32 @!p0 $0x1BF5;
	p2 =	por !p2, p0  }
0x20: {  	[sflag:s8] =	ssyncset.s32 @!p0 $0xFFFFF086;
	s6 =	sadd.s32 @!p0 s3, s7;
	s7 =	simm.s32 @!p0 $0x108  }
0x21: {  	s3 =	sadd.s32 s3, s9;
	s6 =	sadd.s32 @!p0 $0x88, s6;
	s7 =	simm.s32 @p2 $0x1082  }
0x22: {  	[simem:s7], [sflag:s8] =	dma.local @!p0 [hbm:s6], $0xF7A  }
0x23: {  	s9 =	sor.u32 $0xD0000000, s2;
	s6 =	simm.s32 $0x108;
	_ =	swait.ge @!p0 [sflag:s8], $0x0  }
0x24: {  	s3 =	sadd.s32 $0x88, s3;
	s6 =	simm.s32 @!p1 $0x1082;
	[sflag:s4] =	ssyncset.s32 $0xFFFFF086  }
0x25: {  	[simem:s6], [sflag:s4] =	dma.local [hbm:s3], $0xF7A  }
0x26: {  	[smem:$0x3F9C] =	sst s1;
	(tag) =	ssettag s2;
	_ =	strace s9  }
0x27: {  	s1 =	sld [smem:$0x3FAC]  }
0x28: {  	s2 =	sld [smem:$0x3FAD]  }
0x29: {  	s4 =	sld [smem:$0x3FAF]  }
0x2a: {  	p0 =	seq.s32 s5, $0x0;
	s5 =	sld [smem:$0x3FB0]  }
0x2b: {  	s6 =	sld [smem:$0x3FB1]  }
0x2c: {  	s7 =	sld [smem:$0x3FB2]  }
0x2d: {  	s3 =	simm.s32 $0x108;
	s8 =	sld [smem:$0x3FB3]  }
0x2e: {  	s3 =	simm.s32 @!p0 $0x1082;
	s9 =	sld [smem:$0x3FB4]  }
0x2f: {  	lr =	sadd.s32 s0, s3;
	s0 =	sld [smem:$0x3FAB]  }
0x30: {  	s3 =	sld [smem:$0x3FAE]  }
0x31: {  	[smem:$0x3FB7] =	sst s10  }
0x32: {  	s10 =	sld [smem:$0x3FB5];
	_ =	sdelay $0x3  }
0x33: {  	p0 =	seq.s32 s10, $0x1;
	s10 =	sld [smem:$0x3FB7];
	_ =	sdelay $0x3  }
0x34: {  	[smem:$0x3FB7] =	sst s10  }
0x35: {  	s10 =	sld [smem:$0x3FB6];
	_ =	sdelay $0x3  }
0x36: {  	p1 =	seq.s32 s10, $0x1;
	s10 =	sld [smem:$0x3FB7];
	_ =	sdelay $0x3  }
0x37: {  	[smem:$0x3FB7] =	sst s10  }
0x38: {  	s10 =	sld [smem:$0x3FB8]  }
0x39: {  	_ = 	snop;
	(pc) =	sbr.ind lr, $3  }
0x3a: {  	_ = 	snop  }
0x3b: {  	_ = 	snop  }
0x3c: {  	p2 =	seq.s32 s10, $0x1;
	s10 =	sld [smem:$0x3FB7]  }
0x3d: {  	_ =	shalt  }
0x3e: {  	_ =	shalt  }
0x3f: {  	_ =	shalt  }
0x40: {  	_ =	shalt  }
0x41: {  	_ =	shalt  }
0x42: {  	_ =	shalt  }
0x43: {  	_ =	shalt  }
0x44: {  	_ =	shalt  }
0x45: {  	_ =	shalt  }
0x46: {  	_ =	shalt  }
0x47: {  	_ =	shalt  }
0x48: {  	_ =	shalt  }
0x49: {  	_ =	shalt  }
0x4a: {  	_ =	shalt  }
0x4b: {  	_ =	shalt  }
0x4c: {  	_ =	shalt  }
0x4d: {  	_ =	shalt  }
0x4e: {  	_ =	shalt  }
0x4f: {  	_ =	shalt  }
0x50: {  	_ =	shalt  }
0x51: {  	_ =	shalt  }
0x52: {  	_ =	shalt  }
0x53: {  	_ =	shalt  }
0x54: {  	_ =	shalt  }
0x55: {  	_ =	shalt  }
0x56: {  	_ =	shalt  }
0x57: {  	_ =	shalt  }
0x58: {  	_ =	shalt  }
0x59: {  	_ =	shalt  }
0x5a: {  	_ =	shalt  }
0x5b: {  	_ =	shalt  }
0x5c: {  	_ =	shalt  }
0x5d: {  	_ =	shalt  }
0x5e: {  	_ =	shalt  }
0x5f: {  	_ =	shalt  }
0x60: {  	_ =	shalt  }
0x61: {  	_ =	shalt  }
0x62: {  	_ =	shalt  }
0x63: {  	_ =	shalt  }
0x64: {  	_ =	shalt  }
0x65: {  	_ =	shalt  }
0x66: {  	_ =	shalt  }
0x67: {  	_ =	shalt  }
0x68: {  	_ =	shalt  }
0x69: {  	_ =	shalt  }
0x6a: {  	_ =	shalt  }
0x6b: {  	_ =	shalt  }
0x6c: {  	_ =	shalt  }
0x6d: {  	_ =	shalt  }
0x6e: {  	_ =	shalt  }
0x6f: {  	_ =	shalt  }
0x70: {  	_ =	shalt  }
0x71: {  	_ =	shalt  }
0x72: {  	_ =	shalt  }
0x73: {  	_ =	shalt  }
0x74: {  	_ =	shalt  }
0x75: {  	_ =	shalt  }
0x76: {  	_ =	shalt  }
0x77: {  	_ =	shalt  }
0x78: {  	_ =	shalt  }
0x79: {  	_ =	shalt  }
0x7a: {  	_ =	shalt  }
0x7b: {  	_ =	shalt  }
0x7c: {  	_ =	shalt  }
0x7d: {  	_ =	shalt  }
0x7e: {  	_ =	shalt  }
0x7f: {  	_ =	shalt  }
0x80: {  	_ =	shalt  }
0x81: {  	_ =	shalt  }
0x82: {  	_ =	shalt  }
0x83: {  	_ =	shalt  }
0x84: {  	_ =	shalt  }
0x85: {  	_ =	shalt  }
0x86: {  	_ =	shalt  }
0x87: {  	_ =	shalt  }
.Lfunc_end0:
.L_simem_size_0:
called_computation_lowered:
.L_overlay_start_0:
0x88: {  	s2 =	sld [smem:$0x3FD9]  }
0x89: {  	s3 =	sld [smem:$0x3FFE];
	_ =	sdelay $0x1  }
0x8a: {  	s1 =	srdreg.scid  }
0x8b: {  	s0 =	sand.u32 $0x1, s1  }
0x8c: {  	s17 =	sshll.u32 s0, $0xA;
	s2 =	sadd.s32 s3, s2  }
0x8d: {  	s2 =	sadd.s32 s2, s17  }
0x8e: {  	[smem:$0x3FC3] =	sst s2  }
0x8f: {  	_ = 	snop  }
0x90: {  	s2 =	sld [smem:$0x3FC9];
	(tm) =	ssettm $0x1  }
0x91: {  	s18 =	sld [smem:$0x3FFB];
	_ =	sdelay $0x3  }
0x92: {  	_ =	strace s18  }
0x93: {  	s3 =	sld [smem:$0x3FFC];
	_ =	sdelay $0x3  }
0x94: {  	_ =	strace s3  }
0x95: {  	s3 =	sld [smem:$0x3FFD];
	_ =	sdelay $0x3  }
0x96: {  	_ =	strace s3  }
0x97: {  	_ =	strace $0x8FFFFFFF  }
0x98: {  	s19 =	sld [smem:$0x3FDB];
	_ =	sdelay $0x1  }
0x99: {  	s4 =	simm.s32 $_scs_section_size  }
0x9a: {  	s5 =	simm.s32 $_size__tile_overlayer_lowered;
	s6 =	simm.s32 $_tile_overlayer_lowered  }
0x9b: {  	s22 =	simm.s32 $0x1BFF;
	s21 =	sshll.u32 s6, $0x1;
	s3 =	sadd.s32 s4, s19  }
0x9c: {  	s7 =	simm.s32 $0x0;
	s20 =	sshll.u32 s5, $0x1;
	s5 =	sadd.s32 s21, s3  }
0x9d: {  	[timem:s7], [sflag:s22] =	dma.local [hbm:s5], s20  }
0x9e: {  	_ =	swait.ge [sflag:s22], s20  }
0x9f: {  	s4 =	ssub.s32 $0x0, s20;
	[sflag:s22] =	ssyncset.done $0x0  }
0xa0: {  	[sflag:s22] =	ssyncadd.s32 s4;
	_ =	sdelay $0x1  }
0xa1: {  	s23 =	simm.s32 $0x1B8B  }
0xa2: {  	_ =	swait.ge [sflag:s23], $0x1  }
0xa3: {  	[sflag:s23] =	ssyncset.done $0x0  }
0xa4: {  	s25 =	simm.s32 $0x1B8E;
	s24 =	sld [smem:$0x3FFE];
	[sflag:s23] =	ssyncadd.s32 $0xFFFFFFFF  }
0xa5: {  	s26 =	simm.s32 $execute0_lowered;
	[smem:$0x3FD2] =	sst s25  }
0xa6: {  	s5 =	sshll.u32 s26, $0x1;
	_ =	strace $0x80000046;
	[dreg:$0x1] =	wrdreg $0xFFFFFFFF  }
0xa7: {  	s28 =	simm.s32 $_size_execute0_lowered;
	s3 =	sadd.s32 s3, s5;
	[dreg:$0x0] =	wrdreg $0x0  }
0xa8: {  	s5 =	sshll.u32 s28, $0x1;
	[dreg:$0x2] =	wrdreg s3  }
0xa9: {  	[dreg:$0x3] =	wrdreg s5  }
0xaa: {  	[dreg:$0x4] =	wrdreg $0xC0  }
0xab: {  	_ =	task [dreg:s7], $0x5FFFF  }
0xac: {  	[dreg:$0x1] =	wrdreg $0xFFFFFFFF  }
0xad: {  	[dreg:$0x0] =	wrdreg $0x60  }
0xae: {  	[dreg:$0x2] =	wrdreg s24  }
0xaf: {  	[dreg:$0x3] =	wrdreg s2  }
0xb0: {  	[dreg:$0x4] =	wrdreg $0x9  }
0xb1: {  	_ =	task.clear_ibuf [dreg:s7], $0x5FFFF;
	_ =	strace $0x90000046  }
0xb2: {  	s29 =	simm.s32 $0x9;
	_ =	strace $0x80000048  }
0xb3: {  	_ =	swait.ge [sflag:s29], $0x1  }
0xb4: {  	[sflag:s29] =	ssyncadd.s32 $0xFFFFFFFF  }
0xb5: {  	_ =	strace $0x90000048  }
0xb6: {  	_ =	sfence  }
0xb7: {  	s30 =	sld [smem:$0x0];
	_ =	sdelay $0x2  }
0xb8: {  	s31 =	sshll.u32 s1, $0xD;
	s1 =	sshrl.u32 s1, $0x2  }
0xb9: {  	s3 =	sand.u32 $0x4000, s31;
	s1 =	sadd.s32 s1, s30  }
0xba: {  	s0 =	sor.u32 s3, s0;
	s1 =	sshll.u32 s1, $0x11  }
0xbb: {  	s0 =	sor.u32 s1, s0  }
0xbc: {  	s0 =	sadd.s32 $0x8F2B, s0  }
0xbd: {  	[sflag:s0] =	ssyncadd.remote.s32 $0x1  }
0xbe: {  	_ =	sfence.sel $0xFFFF  }
0xbf: {  	[dreg:$0x0] =	wrdreg $0xFFFFFFFF;
	(pc) =	sbr.abs _section_cstart, $3  }
0xc0: {  	[dreg:$0x1] =	wrdreg $0xFFFFFFFF  }
0xc1: {  	_ =	task.clear_ibuf [dreg:s7], $0x2FFFF;
	_ =	strace $0x9FFFFFFF  }
0xc2: {  	(tm) =	ssettm $0x7FFFFFFF  }
0xc3: {  	_ =	shalt  }
tec
execute0_lowered:
.L_overlay_start_1:
0x0: {  	(tag) =	ssettag $0x1  }
0x1: {  	s0 =	rddreg [dreg:$0x0]  }
0x2: {  	s1 =	rddreg [dreg:$0x1];
	s2 =	simm.s32 $0x0;
	s3 =	srdreg.scid  }
0x3: {  	s5 =	stileid.u32;
	s16 =	simm.s32 $0xDA80;
	s17 =	simm.s32 $0xDC80  }
0x4: {  	s18 =	simm.s32 $0xDE80;
	s19 =	simm.s32 $0xE080;
	s20 =	simm.s32 $0xE280  }
0x5: {  	s21 =	simm.s32 $0xE480;
	s22 =	simm.s32 $0xE680;
	s23 =	simm.s32 $0xE880  }
0x6: {  	s24 =	simm.s32 $0xEA80;
	s25 =	simm.s32 $0xEC80;
	s28 =	simm.s32 $0xF080  }
0x7: {  	s29 =	simm.s32 $0xF280;
	s30 =	simm.s32 $0xF480;
	s31 =	simm.s32 $0xF680  }
0x8: {  	s8 =	simm.s32 $0xFC80;
	s9 =	simm.s32 $0xFE80;
	s10 =	simm.s32 $0x1  }
0x9: {  	s11 =	simm.s32 $0x0;
	[smem:$0x7FF] =	sst s2;
	s4 =	sand.u32 $0x1, s3  }
0xa: {  	s5 =	sshll.u32 s5, $0x8;
	s3 =	sadd.s32 $0x1400, s0;
	s6 =	sshll.u32 s4, $0x7  }
0xb: {  	_ =	strace $0x80000047;
	s4 =	ssub.s32 $0x2, s4;
	s5 =	sor.u32 s6, s5  }
0xc: {  	s7 =	sshrl.u32 s4, $0x1;
	s6 =	sshll.u32 s5, $0x6;
	s5 =	sshrl.u32 s5, $0x3  }
0xd: {  	s26 =	ssub.s32 s4, s7;
	s7 =	simm.s32 $0x2;
	s0 =	sadd.s32 s6, s0  }
0xe: {  	s4 =	sadd.s32 s1, s5;
	s6 =	smax.u32 s26, $0x1;
	s26 =	simm.s32 $0xEE80  }
0xf: {  	s1 =	simm.s32 $0xFA80;
	s5 =	sadd.s32 $0x61BC00, s0;
	s0 =	simm.s32 $0xF880  }
.LBB2_1:
0x10: {  	[tilespmem:s2], [sflag:$0x2] =	stream.linear.gather [hbm4b:s4+s2], $0x80, $0x38;
	[tilespmem:$0x10080] =	vst v63  }
0x11: {  	_ =	swait.ge [sflag:s7], $0x80  }
0x12: {  	[sflag:s7] =	ssyncset.done $0x0  }
0x13: {  	[sflag:s7] =	ssyncadd.s32 $0xFFFFFF80  }
0x14: {  	v0 =	vld [tilespmem:$0x0];
	_ =	sdelay $0x4  }
0x15: {  	v0 =	vshll.u32 v0, $0x6  }
0x16: {  	(v2sf) =	vpush v0, $0x0;
	_ =	sdelay $0x1  }
0x17: {  	(v2sf) =	vpush v0, $0x1;
	_ =	sdelay $0x4  }
0x18: {  	(v2sf) =	vpush v0, $0x2;
	_ =	sdelay $0x4  }
0x19: {  	(v2sf) =	vpush v0, $0x3;
	_ =	sdelay $0x2  }
0x1a: {  	s12 =	spop (v2sf);
	(v2sf) =	vpush v0, $0x4  }
0x1b: {  	s12 =	sand.u32 $0x1FFFFFC0, s12  }
0x1c: {  	s15 =	spop (v2sf);
	(v2sf) =	vpush v0, $0x5;
	s13 =	sadd.s32 s3, s12;
	s12 =	simm.s32 $0x80  }
0x1d: {  	[tilespmem:s12], [sflag:$0x1] =	stream.linear.gather [hbm4b:s13+s2], $0x180, $0x38;
	[tilespmem:$0x10080] =	vst v63  }
0x1e: {  	s13 =	sand.u32 $0x1FFFFFC0, s15  }
0x1f: {  	s14 =	simm.s32 $0x280;
	s13 =	sadd.s32 s3, s13  }
0x20: {  	[tilespmem:s14], [sflag:$0x1] =	stream.linear.gather [hbm4b:s13+s2], $0x180, $0x38;
	[tilespmem:$0x10080] =	vst v63  }
0x21: {  	s14 =	spop (v2sf);
	(v2sf) =	vpush v0, $0x6;
	_ =	sdelay $0x1  }
0x22: {  	(v2sf) =	vpush v0, $0x7;
	_ =	sdelay $0x1  }
0x23: {  	s13 =	sand.u32 $0x1FFFFFC0, s14  }
0x24: {  	s15 =	simm.s32 $0x480;
	s14 =	spop (v2sf);
	s13 =	sadd.s32 s3, s13  }
0x25: {  	[tilespmem:s15], [sflag:$0x1] =	stream.linear.gather [hbm4b:s13+s2], $0x180, $0x38;
	[tilespmem:$0x10080] =	vst v63  }
0x26: {  	s13 =	sand.u32 $0x1FFFFFC0, s14  }
0x27: {  	s15 =	simm.s32 $0x680;
	s13 =	sadd.s32 s3, s13;
	s14 =	spop (v2sf);
	(v2sf) =	vpush v0, $0x8  }
0x28: {  	[tilespmem:s15], [sflag:$0x1] =	stream.linear.gather [hbm4b:s13+s2], $0x180, $0x38;
	[tilespmem:$0x10080] =	vst v63  }
0x29: {  	s13 =	sand.u32 $0x1FFFFFC0, s14;
	s14 =	spop (v2sf);
	(v2sf) =	vpush v0, $0x9;
	_ =	sdelay $0x1  }
0x2a: {  	s15 =	simm.s32 $0x880;
	s13 =	sadd.s32 s3, s13  }
0x2b: {  	[tilespmem:s15], [sflag:$0x1] =	stream.linear.gather [hbm4b:s13+s2], $0x180, $0x38;
	[tilespmem:$0x10080] =	vst v63  }
0x2c: {  	s13 =	sand.u32 $0x1FFFFFC0, s14  }
0x2d: {  	s15 =	simm.s32 $0xA80;
	s13 =	sadd.s32 s3, s13;
	s14 =	spop (v2sf);
	(v2sf) =	vpush v0, $0xA  }
0x2e: {  	[tilespmem:s15], [sflag:$0x1] =	stream.linear.gather [hbm4b:s13+s2], $0x180, $0x38;
	[tilespmem:$0x10080] =	vst v63  }
0x2f: {  	s13 =	sand.u32 $0x1FFFFFC0, s14;
	s14 =	spop (v2sf);
	(v2sf) =	vpush v0, $0xB;
	_ =	sdelay $0x2  }
0x30: {  	s15 =	simm.s32 $0xC80;
	s13 =	sadd.s32 s3, s13  }
0x31: {  	[tilespmem:s15], [sflag:$0x1] =	stream.linear.gather [hbm4b:s13+s2], $0x180, $0x38;
	[tilespmem:$0x10080] =	vst v63  }
0x32: {  	s13 =	sand.u32 $0x1FFFFFC0, s14  }
0x33: {  	s15 =	simm.s32 $0xE80;
	s13 =	sadd.s32 s3, s13;
	s14 =	spop (v2sf);
	(v2sf) =	vpush v0, $0xC  }
0x34: {  	[tilespmem:s15], [sflag:$0x1] =	stream.linear.gather [hbm4b:s13+s2], $0x180, $0x38;
	[tilespmem:$0x10080] =	vst v63  }
0x35: {  	s13 =	sand.u32 $0x1FFFFFC0, s14;
	s14 =	spop (v2sf);
	(v2sf) =	vpush v0, $0xD;
	_ =	sdelay $0x1  }
0x36: {  	s15 =	simm.s32 $0x1080;
	s13 =	sadd.s32 s3, s13  }
0x37: {  	[tilespmem:s15], [sflag:$0x1] =	stream.linear.gather [hbm4b:s13+s2], $0x180, $0x38;
	[tilespmem:$0x10080] =	vst v63  }
0x38: {  	s13 =	sand.u32 $0x1FFFFFC0, s14  }
0x39: {  	s15 =	simm.s32 $0x1280;
	s13 =	sadd.s32 s3, s13;
	s14 =	spop (v2sf);
	(v2sf) =	vpush v0, $0xE  }
0x3a: {  	[tilespmem:s15], [sflag:$0x1] =	stream.linear.gather [hbm4b:s13+s2], $0x180, $0x38;
	[tilespmem:$0x10080] =	vst v63  }
0x3b: {  	s13 =	sand.u32 $0x1FFFFFC0, s14;
	s14 =	spop (v2sf);
	(v2sf) =	vpush v0, $0xF  }
0x3c: {  	s15 =	simm.s32 $0x1480;
	s13 =	sadd.s32 s3, s13  }
0x3d: {  	[tilespmem:s15], [sflag:$0x1] =	stream.linear.gather [hbm4b:s13+s2], $0x180, $0x38;
	[tilespmem:$0x10080] =	vst v63  }
0x3e: {  	s13 =	sand.u32 $0x1FFFFFC0, s14  }
0x3f: {  	s15 =	simm.s32 $0x1680;
	s13 =	sadd.s32 s3, s13  }
0x40: {  	[tilespmem:s15], [sflag:$0x1] =	stream.linear.gather [hbm4b:s13+s2], $0x180, $0x38;
	[tilespmem:$0x10080] =	vst v63  }
0x41: {  	s14 =	spop (v2sf)  }
0x42: {  	s13 =	sand.u32 $0x1FFFFFC0, s14  }
0x43: {  	s15 =	simm.s32 $0x1880;
	s14 =	spop (v2sf);
	s13 =	sadd.s32 s3, s13  }
0x44: {  	[tilespmem:s15], [sflag:$0x1] =	stream.linear.gather [hbm4b:s13+s2], $0x180, $0x38;
	[tilespmem:$0x10080] =	vst v63  }
0x45: {  	s13 =	sand.u32 $0x1FFFFFC0, s14  }
0x46: {  	s15 =	simm.s32 $0x1A80;
	s13 =	sadd.s32 s3, s13  }
0x47: {  	[tilespmem:s15], [sflag:$0x1] =	stream.linear.gather [hbm4b:s13+s2], $0x180, $0x38;
	[tilespmem:$0x10080] =	vst v63  }
0x48: {  	s14 =	spop (v2sf)  }
0x49: {  	s13 =	sand.u32 $0x1FFFFFC0, s14  }
0x4a: {  	s15 =	simm.s32 $0x1C80;
	s14 =	spop (v2sf);
	s13 =	sadd.s32 s3, s13  }
0x4b: {  	[tilespmem:s15], [sflag:$0x1] =	stream.linear.gather [hbm4b:s13+s2], $0x180, $0x38;
	[tilespmem:$0x10080] =	vst v63  }
0x4c: {  	s13 =	sand.u32 $0x1FFFFFC0, s14  }
0x4d: {  	s15 =	simm.s32 $0x1E80;
	s13 =	sadd.s32 s3, s13  }
0x4e: {  	[tilespmem:s15], [sflag:$0x1] =	stream.linear.gather [hbm4b:s13+s2], $0x180, $0x38;
	[tilespmem:$0x10080] =	vst v63  }
0x4f: {  	v57 =	vld [tilespmem:$0x10];
	_ =	sdelay $0x4  }
0x50: {  	v0 =	vshll.u32 v57, $0x6  }
0x51: {  	(v2sf) =	vpush v0, $0x0;
	_ =	sdelay $0x1  }
0x52: {  	(v2sf) =	vpush v0, $0x1;
	_ =	sdelay $0x2  }
0x53: {  	(v2sf) =	vpush v0, $0x2;
	_ =	sdelay $0x1  }
0x54: {  	(v2sf) =	vpush v0, $0x3;
	_ =	sdelay $0x2  }
0x55: {  	(v2sf) =	vpush v0, $0x4;
	_ =	sdelay $0x4  }
0x56: {  	s14 =	spop (v2sf);
	(v2sf) =	vpush v0, $0x5  }
0x57: {  	s13 =	sand.u32 $0x1FFFFFC0, s14  }
0x58: {  	s15 =	simm.s32 $0x2080;
	s14 =	spop (v2sf);
	(v2sf) =	vpush v0, $0x6;
	s13 =	sadd.s32 s3, s13  }
0x59: {  	[tilespmem:s15], [sflag:$0x1] =	stream.linear.gather [hbm4b:s13+s2], $0x180, $0x38;
	[tilespmem:$0x10080] =	vst v63  }
0x5a: {  	s13 =	sand.u32 $0x1FFFFFC0, s14  }
0x5b: {  	s15 =	simm.s32 $0x2280;
	s14 =	spop (v2sf);
	s13 =	sadd.s32 s3, s13  }
0x5c: {  	[tilespmem:s15], [sflag:$0x1] =	stream.linear.gather [hbm4b:s13+s2], $0x180, $0x38;
	[tilespmem:$0x10080] =	vst v63  }
0x5d: {  	s13 =	sand.u32 $0x1FFFFFC0, s14;
	s14 =	spop (v2sf);
	(v2sf) =	vpush v0, $0x7  }
0x5e: {  	s15 =	simm.s32 $0x2480;
	s13 =	sadd.s32 s3, s13  }
0x5f: {  	[tilespmem:s15], [sflag:$0x1] =	stream.linear.gather [hbm4b:s13+s2], $0x180, $0x38;
	[tilespmem:$0x10080] =	vst v63  }
0x60: {  	s13 =	sand.u32 $0x1FFFFFC0, s14;
	s14 =	spop (v2sf);
	(v2sf) =	vpush v0, $0x8;
	_ =	sdelay $0x1  }
0x61: {  	s15 =	simm.s32 $0x2680;
	s13 =	sadd.s32 s3, s13  }
0x62: {  	[tilespmem:s15], [sflag:$0x1] =	stream.linear.gather [hbm4b:s13+s2], $0x180, $0x38;
	[tilespmem:$0x10080] =	vst v63  }
0x63: {  	s13 =	sand.u32 $0x1FFFFFC0, s14  }
0x64: {  	s15 =	simm.s32 $0x2880;
	s13 =	sadd.s32 s3, s13;
	s14 =	spop (v2sf);
	(v2sf) =	vpush v0, $0x9  }
0x65: {  	[tilespmem:s15], [sflag:$0x1] =	stream.linear.gather [hbm4b:s13+s2], $0x180, $0x38;
	[tilespmem:$0x10080] =	vst v63  }
0x66: {  	s13 =	sand.u32 $0x1FFFFFC0, s14;
	s14 =	spop (v2sf);
	(v2sf) =	vpush v0, $0xA;
	_ =	sdelay $0x2  }
0x67: {  	s15 =	simm.s32 $0x2A80;
	s13 =	sadd.s32 s3, s13  }
0x68: {  	[tilespmem:s15], [sflag:$0x1] =	stream.linear.gather [hbm4b:s13+s2], $0x180, $0x38;
	[tilespmem:$0x10080] =	vst v63  }
0x69: {  	s13 =	sand.u32 $0x1FFFFFC0, s14;
	s14 =	spop (v2sf);
	(v2sf) =	vpush v0, $0xB  }
0x6a: {  	s15 =	simm.s32 $0x2C80;
	s13 =	sadd.s32 s3, s13  }
0x6b: {  	[tilespmem:s15], [sflag:$0x1] =	stream.linear.gather [hbm4b:s13+s2], $0x180, $0x38;
	[tilespmem:$0x10080] =	vst v63  }
0x6c: {  	s13 =	sand.u32 $0x1FFFFFC0, s14;
	s14 =	spop (v2sf);
	(v2sf) =	vpush v0, $0xC;
	_ =	sdelay $0x1  }
0x6d: {  	s15 =	simm.s32 $0x2E80;
	s13 =	sadd.s32 s3, s13  }
0x6e: {  	[tilespmem:s15], [sflag:$0x1] =	stream.linear.gather [hbm4b:s13+s2], $0x180, $0x38;
	[tilespmem:$0x10080] =	vst v63  }
0x6f: {  	s13 =	sand.u32 $0x1FFFFFC0, s14  }
0x70: {  	s15 =	simm.s32 $0x3080;
	s13 =	sadd.s32 s3, s13;
	s14 =	spop (v2sf);
	(v2sf) =	vpush v0, $0xD  }
0x71: {  	[tilespmem:s15], [sflag:$0x1] =	stream.linear.gather [hbm4b:s13+s2], $0x180, $0x38;
	[tilespmem:$0x10080] =	vst v63  }
0x72: {  	s13 =	sand.u32 $0x1FFFFFC0, s14;
	s14 =	spop (v2sf);
	(v2sf) =	vpush v0, $0xE;
	_ =	sdelay $0x1  }
0x73: {  	s15 =	simm.s32 $0x3280;
	s13 =	sadd.s32 s3, s13  }
0x74: {  	[tilespmem:s15], [sflag:$0x1] =	stream.linear.gather [hbm4b:s13+s2], $0x180, $0x38;
	[tilespmem:$0x10080] =	vst v63  }
0x75: {  	s13 =	sand.u32 $0x1FFFFFC0, s14  }
0x76: {  	s15 =	simm.s32 $0x3480;
	s13 =	sadd.s32 s3, s13;
	s14 =	spop (v2sf);
	(v2sf) =	vpush v0, $0xF  }
0x77: {  	[tilespmem:s15], [sflag:$0x1] =	stream.linear.gather [hbm4b:s13+s2], $0x180, $0x38;
	[tilespmem:$0x10080] =	vst v63  }
0x78: {  	s13 =	sand.u32 $0x1FFFFFC0, s14  }
0x79: {  	s15 =	simm.s32 $0x3680;
	s13 =	sadd.s32 s3, s13;
	s14 =	spop (v2sf)  }
0x7a: {  	[tilespmem:s15], [sflag:$0x1] =	stream.linear.gather [hbm4b:s13+s2], $0x180, $0x38;
	[tilespmem:$0x10080] =	vst v63  }
0x7b: {  	s13 =	sand.u32 $0x1FFFFFC0, s14  }
0x7c: {  	s15 =	simm.s32 $0x3880;
	s13 =	sadd.s32 s3, s13  }
0x7d: {  	[tilespmem:s15], [sflag:$0x1] =	stream.linear.gather [hbm4b:s13+s2], $0x180, $0x38;
	[tilespmem:$0x10080] =	vst v63  }
0x7e: {  	s14 =	spop (v2sf)  }
0x7f: {  	s13 =	sand.u32 $0x1FFFFFC0, s14  }
0x80: {  	s15 =	simm.s32 $0x3A80;
	s14 =	spop (v2sf);
	s13 =	sadd.s32 s3, s13  }
0x81: {  	[tilespmem:s15], [sflag:$0x1] =	stream.linear.gather [hbm4b:s13+s2], $0x180, $0x38;
	[tilespmem:$0x10080] =	vst v63  }
0x82: {  	s13 =	sand.u32 $0x1FFFFFC0, s14  }
0x83: {  	s15 =	simm.s32 $0x3C80;
	s13 =	sadd.s32 s3, s13  }
0x84: {  	[tilespmem:s15], [sflag:$0x1] =	stream.linear.gather [hbm4b:s13+s2], $0x180, $0x38;
	[tilespmem:$0x10080] =	vst v63  }
0x85: {  	s14 =	spop (v2sf)  }
0x86: {  	s13 =	sand.u32 $0x1FFFFFC0, s14  }
0x87: {  	s15 =	simm.s32 $0x3E80;
	s13 =	sadd.s32 s3, s13  }
0x88: {  	[tilespmem:s15], [sflag:$0x1] =	stream.linear.gather [hbm4b:s13+s2], $0x180, $0x38;
	[tilespmem:$0x10080] =	vst v63  }
0x89: {  	v58 =	vld [tilespmem:$0x20];
	_ =	sdelay $0x4  }
0x8a: {  	v0 =	vshll.u32 v58, $0x6  }
0x8b: {  	(v2sf) =	vpush v0, $0x0;
	_ =	sdelay $0x1  }
0x8c: {  	(v2sf) =	vpush v0, $0x1;
	_ =	sdelay $0x2  }
0x8d: {  	(v2sf) =	vpush v0, $0x2;
	_ =	sdelay $0x1  }
0x8e: {  	(v2sf) =	vpush v0, $0x3;
	_ =	sdelay $0x2  }
0x8f: {  	(v2sf) =	vpush v0, $0x4;
	_ =	sdelay $0x4  }
0x90: {  	s14 =	spop (v2sf);
	(v2sf) =	vpush v0, $0x5  }
0x91: {  	s13 =	sand.u32 $0x1FFFFFC0, s14  }
0x92: {  	s15 =	simm.s32 $0x4080;
	s14 =	spop (v2sf);
	(v2sf) =	vpush v0, $0x6;
	s13 =	sadd.s32 s3, s13  }
0x93: {  	[tilespmem:s15], [sflag:$0x1] =	stream.linear.gather [hbm4b:s13+s2], $0x180, $0x38;
	[tilespmem:$0x10080] =	vst v63  }
0x94: {  	s13 =	sand.u32 $0x1FFFFFC0, s14  }
0x95: {  	s15 =	simm.s32 $0x4280;
	s14 =	spop (v2sf);
	s13 =	sadd.s32 s3, s13  }
0x96: {  	[tilespmem:s15], [sflag:$0x1] =	stream.linear.gather [hbm4b:s13+s2], $0x180, $0x38;
	[tilespmem:$0x10080] =	vst v63  }
0x97: {  	s13 =	sand.u32 $0x1FFFFFC0, s14;
	s14 =	spop (v2sf);
	(v2sf) =	vpush v0, $0x7  }
0x98: {  	s15 =	simm.s32 $0x4480;
	s13 =	sadd.s32 s3, s13  }
0x99: {  	[tilespmem:s15], [sflag:$0x1] =	stream.linear.gather [hbm4b:s13+s2], $0x180, $0x38;
	[tilespmem:$0x10080] =	vst v63  }
0x9a: {  	s13 =	sand.u32 $0x1FFFFFC0, s14;
	s14 =	spop (v2sf);
	(v2sf) =	vpush v0, $0x8;
	_ =	sdelay $0x1  }
0x9b: {  	s15 =	simm.s32 $0x4680;
	s13 =	sadd.s32 s3, s13  }
0x9c: {  	[tilespmem:s15], [sflag:$0x1] =	stream.linear.gather [hbm4b:s13+s2], $0x180, $0x38;
	[tilespmem:$0x10080] =	vst v63  }
0x9d: {  	s13 =	sand.u32 $0x1FFFFFC0, s14  }
0x9e: {  	s15 =	simm.s32 $0x4880;
	s13 =	sadd.s32 s3, s13;
	s14 =	spop (v2sf);
	(v2sf) =	vpush v0, $0x9  }
0x9f: {  	[tilespmem:s15], [sflag:$0x1] =	stream.linear.gather [hbm4b:s13+s2], $0x180, $0x38;
	[tilespmem:$0x10080] =	vst v63  }
0xa0: {  	s13 =	sand.u32 $0x1FFFFFC0, s14;
	s14 =	spop (v2sf);
	(v2sf) =	vpush v0, $0xA;
	_ =	sdelay $0x2  }
0xa1: {  	s15 =	simm.s32 $0x4A80;
	s13 =	sadd.s32 s3, s13  }
0xa2: {  	[tilespmem:s15], [sflag:$0x1] =	stream.linear.gather [hbm4b:s13+s2], $0x180, $0x38;
	[tilespmem:$0x10080] =	vst v63  }
0xa3: {  	s13 =	sand.u32 $0x1FFFFFC0, s14;
	s14 =	spop (v2sf);
	(v2sf) =	vpush v0, $0xB  }
0xa4: {  	s15 =	simm.s32 $0x4C80;
	s13 =	sadd.s32 s3, s13  }
0xa5: {  	[tilespmem:s15], [sflag:$0x1] =	stream.linear.gather [hbm4b:s13+s2], $0x180, $0x38;
	[tilespmem:$0x10080] =	vst v63  }
0xa6: {  	s13 =	sand.u32 $0x1FFFFFC0, s14;
	s14 =	spop (v2sf);
	(v2sf) =	vpush v0, $0xC;
	_ =	sdelay $0x1  }
0xa7: {  	s15 =	simm.s32 $0x4E80;
	s13 =	sadd.s32 s3, s13  }
0xa8: {  	[tilespmem:s15], [sflag:$0x1] =	stream.linear.gather [hbm4b:s13+s2], $0x180, $0x38;
	[tilespmem:$0x10080] =	vst v63  }
0xa9: {  	s13 =	sand.u32 $0x1FFFFFC0, s14  }
0xaa: {  	s15 =	simm.s32 $0x5080;
	s13 =	sadd.s32 s3, s13;
	s14 =	spop (v2sf);
	(v2sf) =	vpush v0, $0xD  }
0xab: {  	[tilespmem:s15], [sflag:$0x1] =	stream.linear.gather [hbm4b:s13+s2], $0x180, $0x38;
	[tilespmem:$0x10080] =	vst v63  }
0xac: {  	s13 =	sand.u32 $0x1FFFFFC0, s14;
	s14 =	spop (v2sf);
	(v2sf) =	vpush v0, $0xE;
	_ =	sdelay $0x1  }
0xad: {  	s15 =	simm.s32 $0x5280;
	s13 =	sadd.s32 s3, s13  }
0xae: {  	[tilespmem:s15], [sflag:$0x1] =	stream.linear.gather [hbm4b:s13+s2], $0x180, $0x38;
	[tilespmem:$0x10080] =	vst v63  }
0xaf: {  	s13 =	sand.u32 $0x1FFFFFC0, s14  }
0xb0: {  	s15 =	simm.s32 $0x5480;
	s13 =	sadd.s32 s3, s13;
	s14 =	spop (v2sf);
	(v2sf) =	vpush v0, $0xF  }
0xb1: {  	[tilespmem:s15], [sflag:$0x1] =	stream.linear.gather [hbm4b:s13+s2], $0x180, $0x38;
	[tilespmem:$0x10080] =	vst v63  }
0xb2: {  	s13 =	sand.u32 $0x1FFFFFC0, s14  }
0xb3: {  	s15 =	simm.s32 $0x5680;
	s13 =	sadd.s32 s3, s13;
	s14 =	spop (v2sf)  }
0xb4: {  	[tilespmem:s15], [sflag:$0x1] =	stream.linear.gather [hbm4b:s13+s2], $0x180, $0x38;
	[tilespmem:$0x10080] =	vst v63  }
0xb5: {  	s13 =	sand.u32 $0x1FFFFFC0, s14  }
0xb6: {  	s15 =	simm.s32 $0x5880;
	s13 =	sadd.s32 s3, s13  }
0xb7: {  	[tilespmem:s15], [sflag:$0x1] =	stream.linear.gather [hbm4b:s13+s2], $0x180, $0x38;
	[tilespmem:$0x10080] =	vst v63  }
0xb8: {  	s14 =	spop (v2sf)  }
0xb9: {  	s13 =	sand.u32 $0x1FFFFFC0, s14  }
0xba: {  	s15 =	simm.s32 $0x5A80;
	s14 =	spop (v2sf);
	s13 =	sadd.s32 s3, s13  }
0xbb: {  	[tilespmem:s15], [sflag:$0x1] =	stream.linear.gather [hbm4b:s13+s2], $0x180, $0x38;
	[tilespmem:$0x10080] =	vst v63  }
0xbc: {  	s13 =	sand.u32 $0x1FFFFFC0, s14  }
0xbd: {  	s15 =	simm.s32 $0x5C80;
	s13 =	sadd.s32 s3, s13  }
0xbe: {  	[tilespmem:s15], [sflag:$0x1] =	stream.linear.gather [hbm4b:s13+s2], $0x180, $0x38;
	[tilespmem:$0x10080] =	vst v63  }
0xbf: {  	s14 =	spop (v2sf)  }
0xc0: {  	s13 =	sand.u32 $0x1FFFFFC0, s14  }
0xc1: {  	s15 =	simm.s32 $0x5E80;
	s13 =	sadd.s32 s3, s13  }
0xc2: {  	[tilespmem:s15], [sflag:$0x1] =	stream.linear.gather [hbm4b:s13+s2], $0x180, $0x38;
	[tilespmem:$0x10080] =	vst v63  }
0xc3: {  	v59 =	vld [tilespmem:$0x30];
	_ =	sdelay $0x4  }
0xc4: {  	v0 =	vshll.u32 v59, $0x6  }
0xc5: {  	(v2sf) =	vpush v0, $0x0;
	_ =	sdelay $0x1  }
0xc6: {  	(v2sf) =	vpush v0, $0x1;
	_ =	sdelay $0x2  }
0xc7: {  	(v2sf) =	vpush v0, $0x2;
	_ =	sdelay $0x1  }
0xc8: {  	(v2sf) =	vpush v0, $0x3;
	_ =	sdelay $0x2  }
0xc9: {  	(v2sf) =	vpush v0, $0x4;
	_ =	sdelay $0x4  }
0xca: {  	s14 =	spop (v2sf);
	(v2sf) =	vpush v0, $0x5  }
0xcb: {  	s13 =	sand.u32 $0x1FFFFFC0, s14  }
0xcc: {  	s15 =	simm.s32 $0x6080;
	s14 =	spop (v2sf);
	(v2sf) =	vpush v0, $0x6;
	s13 =	sadd.s32 s3, s13  }
0xcd: {  	[tilespmem:s15], [sflag:$0x1] =	stream.linear.gather [hbm4b:s13+s2], $0x180, $0x38;
	[tilespmem:$0x10080] =	vst v63  }
0xce: {  	s13 =	sand.u32 $0x1FFFFFC0, s14  }
0xcf: {  	s15 =	simm.s32 $0x6280;
	s14 =	spop (v2sf);
	s13 =	sadd.s32 s3, s13  }
0xd0: {  	[tilespmem:s15], [sflag:$0x1] =	stream.linear.gather [hbm4b:s13+s2], $0x180, $0x38;
	[tilespmem:$0x10080] =	vst v63  }
0xd1: {  	s13 =	sand.u32 $0x1FFFFFC0, s14;
	s14 =	spop (v2sf);
	(v2sf) =	vpush v0, $0x7  }
0xd2: {  	s15 =	simm.s32 $0x6480;
	s13 =	sadd.s32 s3, s13  }
0xd3: {  	[tilespmem:s15], [sflag:$0x1] =	stream.linear.gather [hbm4b:s13+s2], $0x180, $0x38;
	[tilespmem:$0x10080] =	vst v63  }
0xd4: {  	s13 =	sand.u32 $0x1FFFFFC0, s14;
	s14 =	spop (v2sf);
	(v2sf) =	vpush v0, $0x8;
	_ =	sdelay $0x1  }
0xd5: {  	s15 =	simm.s32 $0x6680;
	s13 =	sadd.s32 s3, s13  }
0xd6: {  	[tilespmem:s15], [sflag:$0x1] =	stream.linear.gather [hbm4b:s13+s2], $0x180, $0x38;
	[tilespmem:$0x10080] =	vst v63  }
0xd7: {  	s13 =	sand.u32 $0x1FFFFFC0, s14  }
0xd8: {  	s15 =	simm.s32 $0x6880;
	s13 =	sadd.s32 s3, s13;
	s14 =	spop (v2sf);
	(v2sf) =	vpush v0, $0x9  }
0xd9: {  	[tilespmem:s15], [sflag:$0x1] =	stream.linear.gather [hbm4b:s13+s2], $0x180, $0x38;
	[tilespmem:$0x10080] =	vst v63  }
0xda: {  	s13 =	sand.u32 $0x1FFFFFC0, s14;
	s14 =	spop (v2sf);
	(v2sf) =	vpush v0, $0xA;
	_ =	sdelay $0x2  }
0xdb: {  	s15 =	simm.s32 $0x6A80;
	s13 =	sadd.s32 s3, s13  }
0xdc: {  	[tilespmem:s15], [sflag:$0x1] =	stream.linear.gather [hbm4b:s13+s2], $0x180, $0x38;
	[tilespmem:$0x10080] =	vst v63  }
0xdd: {  	s13 =	sand.u32 $0x1FFFFFC0, s14;
	s14 =	spop (v2sf);
	(v2sf) =	vpush v0, $0xB  }
0xde: {  	s15 =	simm.s32 $0x6C80;
	s13 =	sadd.s32 s3, s13  }
0xdf: {  	[tilespmem:s15], [sflag:$0x1] =	stream.linear.gather [hbm4b:s13+s2], $0x180, $0x38;
	[tilespmem:$0x10080] =	vst v63  }
0xe0: {  	s13 =	sand.u32 $0x1FFFFFC0, s14;
	s14 =	spop (v2sf);
	(v2sf) =	vpush v0, $0xC;
	_ =	sdelay $0x1  }
0xe1: {  	s15 =	simm.s32 $0x6E80;
	s13 =	sadd.s32 s3, s13  }
0xe2: {  	[tilespmem:s15], [sflag:$0x1] =	stream.linear.gather [hbm4b:s13+s2], $0x180, $0x38;
	[tilespmem:$0x10080] =	vst v63  }
0xe3: {  	s13 =	sand.u32 $0x1FFFFFC0, s14  }
0xe4: {  	s15 =	simm.s32 $0x7080;
	s13 =	sadd.s32 s3, s13;
	s14 =	spop (v2sf);
	(v2sf) =	vpush v0, $0xD  }
0xe5: {  	[tilespmem:s15], [sflag:$0x1] =	stream.linear.gather [hbm4b:s13+s2], $0x180, $0x38;
	[tilespmem:$0x10080] =	vst v63  }
0xe6: {  	s13 =	sand.u32 $0x1FFFFFC0, s14;
	s14 =	spop (v2sf);
	(v2sf) =	vpush v0, $0xE;
	_ =	sdelay $0x1  }
0xe7: {  	s15 =	simm.s32 $0x7280;
	s13 =	sadd.s32 s3, s13  }
0xe8: {  	[tilespmem:s15], [sflag:$0x1] =	stream.linear.gather [hbm4b:s13+s2], $0x180, $0x38;
	[tilespmem:$0x10080] =	vst v63  }
0xe9: {  	s13 =	sand.u32 $0x1FFFFFC0, s14  }
0xea: {  	s15 =	simm.s32 $0x7480;
	s13 =	sadd.s32 s3, s13;
	s14 =	spop (v2sf);
	(v2sf) =	vpush v0, $0xF  }
0xeb: {  	[tilespmem:s15], [sflag:$0x1] =	stream.linear.gather [hbm4b:s13+s2], $0x180, $0x38;
	[tilespmem:$0x10080] =	vst v63  }
0xec: {  	s13 =	sand.u32 $0x1FFFFFC0, s14  }
0xed: {  	s15 =	simm.s32 $0x7680;
	s13 =	sadd.s32 s3, s13;
	s14 =	spop (v2sf)  }
0xee: {  	[tilespmem:s15], [sflag:$0x1] =	stream.linear.gather [hbm4b:s13+s2], $0x180, $0x38;
	[tilespmem:$0x10080] =	vst v63  }
0xef: {  	s13 =	sand.u32 $0x1FFFFFC0, s14  }
0xf0: {  	s15 =	simm.s32 $0x7880;
	s13 =	sadd.s32 s3, s13  }
0xf1: {  	[tilespmem:s15], [sflag:$0x1] =	stream.linear.gather [hbm4b:s13+s2], $0x180, $0x38;
	[tilespmem:$0x10080] =	vst v63  }
0xf2: {  	s14 =	spop (v2sf)  }
0xf3: {  	s13 =	sand.u32 $0x1FFFFFC0, s14  }
0xf4: {  	s15 =	simm.s32 $0x7A80;
	s14 =	spop (v2sf);
	s13 =	sadd.s32 s3, s13  }
0xf5: {  	[tilespmem:s15], [sflag:$0x1] =	stream.linear.gather [hbm4b:s13+s2], $0x180, $0x38;
	[tilespmem:$0x10080] =	vst v63  }
0xf6: {  	s13 =	sand.u32 $0x1FFFFFC0, s14  }
0xf7: {  	s15 =	simm.s32 $0x7C80;
	s13 =	sadd.s32 s3, s13  }
0xf8: {  	[tilespmem:s15], [sflag:$0x1] =	stream.linear.gather [hbm4b:s13+s2], $0x180, $0x38;
	[tilespmem:$0x10080] =	vst v63  }
0xf9: {  	s14 =	spop (v2sf)  }
0xfa: {  	s13 =	sand.u32 $0x1FFFFFC0, s14  }
0xfb: {  	s15 =	simm.s32 $0x7E80;
	s13 =	sadd.s32 s3, s13  }
0xfc: {  	[tilespmem:s15], [sflag:$0x1] =	stream.linear.gather [hbm4b:s13+s2], $0x180, $0x38;
	[tilespmem:$0x10080] =	vst v63  }
0xfd: {  	v60 =	vld [tilespmem:$0x40];
	_ =	sdelay $0x4  }
0xfe: {  	v0 =	vshll.u32 v60, $0x6  }
0xff: {  	(v2sf) =	vpush v0, $0x0;
	_ =	sdelay $0x1  }
0x100: {  	(v2sf) =	vpush v0, $0x1;
	_ =	sdelay $0x2  }
0x101: {  	(v2sf) =	vpush v0, $0x2;
	_ =	sdelay $0x1  }
0x102: {  	(v2sf) =	vpush v0, $0x3;
	_ =	sdelay $0x2  }
0x103: {  	(v2sf) =	vpush v0, $0x4;
	_ =	sdelay $0x4  }
0x104: {  	s14 =	spop (v2sf);
	(v2sf) =	vpush v0, $0x5  }
0x105: {  	s13 =	sand.u32 $0x1FFFFFC0, s14  }
0x106: {  	s15 =	simm.s32 $0x8080;
	s14 =	spop (v2sf);
	(v2sf) =	vpush v0, $0x6;
	s13 =	sadd.s32 s3, s13  }
0x107: {  	[tilespmem:s15], [sflag:$0x1] =	stream.linear.gather [hbm4b:s13+s2], $0x180, $0x38;
	[tilespmem:$0x10080] =	vst v63  }
0x108: {  	s13 =	sand.u32 $0x1FFFFFC0, s14  }
0x109: {  	s15 =	simm.s32 $0x8280;
	s14 =	spop (v2sf);
	s13 =	sadd.s32 s3, s13  }
0x10a: {  	[tilespmem:s15], [sflag:$0x1] =	stream.linear.gather [hbm4b:s13+s2], $0x180, $0x38;
	[tilespmem:$0x10080] =	vst v63  }
0x10b: {  	s13 =	sand.u32 $0x1FFFFFC0, s14;
	s14 =	spop (v2sf);
	(v2sf) =	vpush v0, $0x7  }
0x10c: {  	s15 =	simm.s32 $0x8480;
	s13 =	sadd.s32 s3, s13  }
0x10d: {  	[tilespmem:s15], [sflag:$0x1] =	stream.linear.gather [hbm4b:s13+s2], $0x180, $0x38;
	[tilespmem:$0x10080] =	vst v63  }
0x10e: {  	s13 =	sand.u32 $0x1FFFFFC0, s14;
	s14 =	spop (v2sf);
	(v2sf) =	vpush v0, $0x8;
	_ =	sdelay $0x1  }
0x10f: {  	s15 =	simm.s32 $0x8680;
	s13 =	sadd.s32 s3, s13  }
0x110: {  	[tilespmem:s15], [sflag:$0x1] =	stream.linear.gather [hbm4b:s13+s2], $0x180, $0x38;
	[tilespmem:$0x10080] =	vst v63  }
0x111: {  	s13 =	sand.u32 $0x1FFFFFC0, s14  }
0x112: {  	s15 =	simm.s32 $0x8880;
	s13 =	sadd.s32 s3, s13;
	s14 =	spop (v2sf);
	(v2sf) =	vpush v0, $0x9  }
0x113: {  	[tilespmem:s15], [sflag:$0x1] =	stream.linear.gather [hbm4b:s13+s2], $0x180, $0x38;
	[tilespmem:$0x10080] =	vst v63  }
0x114: {  	s13 =	sand.u32 $0x1FFFFFC0, s14;
	s14 =	spop (v2sf);
	(v2sf) =	vpush v0, $0xA;
	_ =	sdelay $0x2  }
0x115: {  	s15 =	simm.s32 $0x8A80;
	s13 =	sadd.s32 s3, s13  }
0x116: {  	[tilespmem:s15], [sflag:$0x1] =	stream.linear.gather [hbm4b:s13+s2], $0x180, $0x38;
	[tilespmem:$0x10080] =	vst v63  }
0x117: {  	s13 =	sand.u32 $0x1FFFFFC0, s14;
	s14 =	spop (v2sf);
	(v2sf) =	vpush v0, $0xB  }
0x118: {  	s15 =	simm.s32 $0x8C80;
	s13 =	sadd.s32 s3, s13  }
0x119: {  	[tilespmem:s15], [sflag:$0x1] =	stream.linear.gather [hbm4b:s13+s2], $0x180, $0x38;
	[tilespmem:$0x10080] =	vst v63  }
0x11a: {  	s13 =	sand.u32 $0x1FFFFFC0, s14;
	s14 =	spop (v2sf);
	(v2sf) =	vpush v0, $0xC;
	_ =	sdelay $0x1  }
0x11b: {  	s15 =	simm.s32 $0x8E80;
	s13 =	sadd.s32 s3, s13  }
0x11c: {  	[tilespmem:s15], [sflag:$0x1] =	stream.linear.gather [hbm4b:s13+s2], $0x180, $0x38;
	[tilespmem:$0x10080] =	vst v63  }
0x11d: {  	s13 =	sand.u32 $0x1FFFFFC0, s14  }
0x11e: {  	s15 =	simm.s32 $0x9080;
	s13 =	sadd.s32 s3, s13;
	s14 =	spop (v2sf);
	(v2sf) =	vpush v0, $0xD  }
0x11f: {  	[tilespmem:s15], [sflag:$0x1] =	stream.linear.gather [hbm4b:s13+s2], $0x180, $0x38;
	[tilespmem:$0x10080] =	vst v63  }
0x120: {  	s13 =	sand.u32 $0x1FFFFFC0, s14;
	s14 =	spop (v2sf);
	(v2sf) =	vpush v0, $0xE;
	_ =	sdelay $0x1  }
0x121: {  	s15 =	simm.s32 $0x9280;
	s13 =	sadd.s32 s3, s13  }
0x122: {  	[tilespmem:s15], [sflag:$0x1] =	stream.linear.gather [hbm4b:s13+s2], $0x180, $0x38;
	[tilespmem:$0x10080] =	vst v63  }
0x123: {  	s13 =	sand.u32 $0x1FFFFFC0, s14  }
0x124: {  	s15 =	simm.s32 $0x9480;
	s13 =	sadd.s32 s3, s13;
	s14 =	spop (v2sf);
	(v2sf) =	vpush v0, $0xF  }
0x125: {  	[tilespmem:s15], [sflag:$0x1] =	stream.linear.gather [hbm4b:s13+s2], $0x180, $0x38;
	[tilespmem:$0x10080] =	vst v63  }
0x126: {  	s13 =	sand.u32 $0x1FFFFFC0, s14  }
0x127: {  	s15 =	simm.s32 $0x9680;
	s13 =	sadd.s32 s3, s13;
	s14 =	spop (v2sf)  }
0x128: {  	[tilespmem:s15], [sflag:$0x1] =	stream.linear.gather [hbm4b:s13+s2], $0x180, $0x38;
	[tilespmem:$0x10080] =	vst v63  }
0x129: {  	s13 =	sand.u32 $0x1FFFFFC0, s14  }
0x12a: {  	s15 =	simm.s32 $0x9880;
	s13 =	sadd.s32 s3, s13  }
0x12b: {  	[tilespmem:s15], [sflag:$0x1] =	stream.linear.gather [hbm4b:s13+s2], $0x180, $0x38;
	[tilespmem:$0x10080] =	vst v63  }
0x12c: {  	s14 =	spop (v2sf)  }
0x12d: {  	s13 =	sand.u32 $0x1FFFFFC0, s14  }
0x12e: {  	s15 =	simm.s32 $0x9A80;
	s14 =	spop (v2sf);
	s13 =	sadd.s32 s3, s13  }
0x12f: {  	[tilespmem:s15], [sflag:$0x1] =	stream.linear.gather [hbm4b:s13+s2], $0x180, $0x38;
	[tilespmem:$0x10080] =	vst v63  }
0x130: {  	s13 =	sand.u32 $0x1FFFFFC0, s14  }
0x131: {  	s15 =	simm.s32 $0x9C80;
	s13 =	sadd.s32 s3, s13  }
0x132: {  	[tilespmem:s15], [sflag:$0x1] =	stream.linear.gather [hbm4b:s13+s2], $0x180, $0x38;
	[tilespmem:$0x10080] =	vst v63  }
0x133: {  	s14 =	spop (v2sf)  }
0x134: {  	s13 =	sand.u32 $0x1FFFFFC0, s14  }
0x135: {  	s15 =	simm.s32 $0x9E80;
	s13 =	sadd.s32 s3, s13  }
0x136: {  	[tilespmem:s15], [sflag:$0x1] =	stream.linear.gather [hbm4b:s13+s2], $0x180, $0x38;
	[tilespmem:$0x10080] =	vst v63  }
0x137: {  	v61 =	vld [tilespmem:$0x50];
	_ =	sdelay $0x4  }
0x138: {  	v0 =	vshll.u32 v61, $0x6  }
0x139: {  	(v2sf) =	vpush v0, $0x0;
	_ =	sdelay $0x1  }
0x13a: {  	(v2sf) =	vpush v0, $0x1;
	_ =	sdelay $0x2  }
0x13b: {  	(v2sf) =	vpush v0, $0x2;
	_ =	sdelay $0x1  }
0x13c: {  	(v2sf) =	vpush v0, $0x3;
	_ =	sdelay $0x2  }
0x13d: {  	(v2sf) =	vpush v0, $0x4;
	_ =	sdelay $0x4  }
0x13e: {  	s14 =	spop (v2sf);
	(v2sf) =	vpush v0, $0x5  }
0x13f: {  	s13 =	sand.u32 $0x1FFFFFC0, s14  }
0x140: {  	s15 =	simm.s32 $0xA080;
	s14 =	spop (v2sf);
	(v2sf) =	vpush v0, $0x6;
	s13 =	sadd.s32 s3, s13  }
0x141: {  	[tilespmem:s15], [sflag:$0x1] =	stream.linear.gather [hbm4b:s13+s2], $0x180, $0x38;
	[tilespmem:$0x10080] =	vst v63  }
0x142: {  	s13 =	sand.u32 $0x1FFFFFC0, s14  }
0x143: {  	s15 =	simm.s32 $0xA280;
	s14 =	spop (v2sf);
	s13 =	sadd.s32 s3, s13  }
0x144: {  	[tilespmem:s15], [sflag:$0x1] =	stream.linear.gather [hbm4b:s13+s2], $0x180, $0x38;
	[tilespmem:$0x10080] =	vst v63  }
0x145: {  	s13 =	sand.u32 $0x1FFFFFC0, s14;
	s14 =	spop (v2sf);
	(v2sf) =	vpush v0, $0x7  }
0x146: {  	s15 =	simm.s32 $0xA480;
	s13 =	sadd.s32 s3, s13  }
0x147: {  	[tilespmem:s15], [sflag:$0x1] =	stream.linear.gather [hbm4b:s13+s2], $0x180, $0x38;
	[tilespmem:$0x10080] =	vst v63  }
0x148: {  	s13 =	sand.u32 $0x1FFFFFC0, s14;
	s14 =	spop (v2sf);
	(v2sf) =	vpush v0, $0x8;
	_ =	sdelay $0x1  }
0x149: {  	s15 =	simm.s32 $0xA680;
	s13 =	sadd.s32 s3, s13  }
0x14a: {  	[tilespmem:s15], [sflag:$0x1] =	stream.linear.gather [hbm4b:s13+s2], $0x180, $0x38;
	[tilespmem:$0x10080] =	vst v63  }
0x14b: {  	s13 =	sand.u32 $0x1FFFFFC0, s14  }
0x14c: {  	s15 =	simm.s32 $0xA880;
	s13 =	sadd.s32 s3, s13;
	s14 =	spop (v2sf);
	(v2sf) =	vpush v0, $0x9  }
0x14d: {  	[tilespmem:s15], [sflag:$0x1] =	stream.linear.gather [hbm4b:s13+s2], $0x180, $0x38;
	[tilespmem:$0x10080] =	vst v63  }
0x14e: {  	s13 =	sand.u32 $0x1FFFFFC0, s14;
	s14 =	spop (v2sf);
	(v2sf) =	vpush v0, $0xA;
	_ =	sdelay $0x2  }
0x14f: {  	s15 =	simm.s32 $0xAA80;
	s13 =	sadd.s32 s3, s13  }
0x150: {  	[tilespmem:s15], [sflag:$0x1] =	stream.linear.gather [hbm4b:s13+s2], $0x180, $0x38;
	[tilespmem:$0x10080] =	vst v63  }
0x151: {  	s13 =	sand.u32 $0x1FFFFFC0, s14;
	s14 =	spop (v2sf);
	(v2sf) =	vpush v0, $0xB  }
0x152: {  	s15 =	simm.s32 $0xAC80;
	s13 =	sadd.s32 s3, s13  }
0x153: {  	[tilespmem:s15], [sflag:$0x1] =	stream.linear.gather [hbm4b:s13+s2], $0x180, $0x38;
	[tilespmem:$0x10080] =	vst v63  }
0x154: {  	s13 =	sand.u32 $0x1FFFFFC0, s14;
	s14 =	spop (v2sf);
	(v2sf) =	vpush v0, $0xC;
	_ =	sdelay $0x1  }
0x155: {  	s15 =	simm.s32 $0xAE80;
	s13 =	sadd.s32 s3, s13  }
0x156: {  	[tilespmem:s15], [sflag:$0x1] =	stream.linear.gather [hbm4b:s13+s2], $0x180, $0x38;
	[tilespmem:$0x10080] =	vst v63  }
0x157: {  	s13 =	sand.u32 $0x1FFFFFC0, s14  }
0x158: {  	s15 =	simm.s32 $0xB080;
	s13 =	sadd.s32 s3, s13;
	s14 =	spop (v2sf);
	(v2sf) =	vpush v0, $0xD  }
0x159: {  	[tilespmem:s15], [sflag:$0x1] =	stream.linear.gather [hbm4b:s13+s2], $0x180, $0x38;
	[tilespmem:$0x10080] =	vst v63  }
0x15a: {  	s13 =	sand.u32 $0x1FFFFFC0, s14;
	s14 =	spop (v2sf);
	(v2sf) =	vpush v0, $0xE;
	_ =	sdelay $0x1  }
0x15b: {  	s15 =	simm.s32 $0xB280;
	s13 =	sadd.s32 s3, s13  }
0x15c: {  	[tilespmem:s15], [sflag:$0x1] =	stream.linear.gather [hbm4b:s13+s2], $0x180, $0x38;
	[tilespmem:$0x10080] =	vst v63  }
0x15d: {  	s13 =	sand.u32 $0x1FFFFFC0, s14  }
0x15e: {  	s15 =	simm.s32 $0xB480;
	s13 =	sadd.s32 s3, s13;
	s14 =	spop (v2sf);
	(v2sf) =	vpush v0, $0xF  }
0x15f: {  	[tilespmem:s15], [sflag:$0x1] =	stream.linear.gather [hbm4b:s13+s2], $0x180, $0x38;
	[tilespmem:$0x10080] =	vst v63  }
0x160: {  	s13 =	sand.u32 $0x1FFFFFC0, s14  }
0x161: {  	s15 =	simm.s32 $0xB680;
	s13 =	sadd.s32 s3, s13;
	s14 =	spop (v2sf)  }
0x162: {  	[tilespmem:s15], [sflag:$0x1] =	stream.linear.gather [hbm4b:s13+s2], $0x180, $0x38;
	[tilespmem:$0x10080] =	vst v63  }
0x163: {  	s13 =	sand.u32 $0x1FFFFFC0, s14  }
0x164: {  	s15 =	simm.s32 $0xB880;
	s13 =	sadd.s32 s3, s13  }
0x165: {  	[tilespmem:s15], [sflag:$0x1] =	stream.linear.gather [hbm4b:s13+s2], $0x180, $0x38;
	[tilespmem:$0x10080] =	vst v63  }
0x166: {  	s14 =	spop (v2sf)  }
0x167: {  	s13 =	sand.u32 $0x1FFFFFC0, s14  }
0x168: {  	s15 =	simm.s32 $0xBA80;
	s14 =	spop (v2sf);
	s13 =	sadd.s32 s3, s13  }
0x169: {  	[tilespmem:s15], [sflag:$0x1] =	stream.linear.gather [hbm4b:s13+s2], $0x180, $0x38;
	[tilespmem:$0x10080] =	vst v63  }
0x16a: {  	s13 =	sand.u32 $0x1FFFFFC0, s14  }
0x16b: {  	s15 =	simm.s32 $0xBC80;
	s13 =	sadd.s32 s3, s13  }
0x16c: {  	[tilespmem:s15], [sflag:$0x1] =	stream.linear.gather [hbm4b:s13+s2], $0x180, $0x38;
	[tilespmem:$0x10080] =	vst v63  }
0x16d: {  	s14 =	spop (v2sf)  }
0x16e: {  	s13 =	sand.u32 $0x1FFFFFC0, s14  }
0x16f: {  	s15 =	simm.s32 $0xBE80;
	s13 =	sadd.s32 s3, s13  }
0x170: {  	[tilespmem:s15], [sflag:$0x1] =	stream.linear.gather [hbm4b:s13+s2], $0x180, $0x38;
	[tilespmem:$0x10080] =	vst v63  }
0x171: {  	v62 =	vld [tilespmem:$0x60];
	_ =	sdelay $0x4  }
0x172: {  	v0 =	vshll.u32 v62, $0x6  }
0x173: {  	(v2sf) =	vpush v0, $0x0;
	_ =	sdelay $0x1  }
0x174: {  	(v2sf) =	vpush v0, $0x1;
	_ =	sdelay $0x2  }
0x175: {  	(v2sf) =	vpush v0, $0x2;
	_ =	sdelay $0x1  }
0x176: {  	(v2sf) =	vpush v0, $0x3;
	_ =	sdelay $0x2  }
0x177: {  	(v2sf) =	vpush v0, $0x4;
	_ =	sdelay $0x4  }
0x178: {  	s14 =	spop (v2sf);
	(v2sf) =	vpush v0, $0x5  }
0x179: {  	s13 =	sand.u32 $0x1FFFFFC0, s14  }
0x17a: {  	s15 =	simm.s32 $0xC080;
	s14 =	spop (v2sf);
	(v2sf) =	vpush v0, $0x6;
	s13 =	sadd.s32 s3, s13  }
0x17b: {  	[tilespmem:s15], [sflag:$0x1] =	stream.linear.gather [hbm4b:s13+s2], $0x180, $0x38;
	[tilespmem:$0x10080] =	vst v63  }
0x17c: {  	s13 =	sand.u32 $0x1FFFFFC0, s14  }
0x17d: {  	s15 =	simm.s32 $0xC280;
	s14 =	spop (v2sf);
	s13 =	sadd.s32 s3, s13  }
0x17e: {  	[tilespmem:s15], [sflag:$0x1] =	stream.linear.gather [hbm4b:s13+s2], $0x180, $0x38;
	[tilespmem:$0x10080] =	vst v63  }
0x17f: {  	s13 =	sand.u32 $0x1FFFFFC0, s14;
	s14 =	spop (v2sf);
	(v2sf) =	vpush v0, $0x7  }
0x180: {  	s15 =	simm.s32 $0xC480;
	s13 =	sadd.s32 s3, s13  }
0x181: {  	[tilespmem:s15], [sflag:$0x1] =	stream.linear.gather [hbm4b:s13+s2], $0x180, $0x38;
	[tilespmem:$0x10080] =	vst v63  }
0x182: {  	s13 =	sand.u32 $0x1FFFFFC0, s14;
	s14 =	spop (v2sf);
	(v2sf) =	vpush v0, $0x8;
	_ =	sdelay $0x1  }
0x183: {  	s15 =	simm.s32 $0xC680;
	s13 =	sadd.s32 s3, s13  }
0x184: {  	[tilespmem:s15], [sflag:$0x1] =	stream.linear.gather [hbm4b:s13+s2], $0x180, $0x38;
	[tilespmem:$0x10080] =	vst v63  }
0x185: {  	s13 =	sand.u32 $0x1FFFFFC0, s14  }
0x186: {  	s15 =	simm.s32 $0xC880;
	s13 =	sadd.s32 s3, s13;
	s14 =	spop (v2sf);
	(v2sf) =	vpush v0, $0x9  }
0x187: {  	[tilespmem:s15], [sflag:$0x1] =	stream.linear.gather [hbm4b:s13+s2], $0x180, $0x38;
	[tilespmem:$0x10080] =	vst v63  }
0x188: {  	s13 =	sand.u32 $0x1FFFFFC0, s14;
	s14 =	spop (v2sf);
	(v2sf) =	vpush v0, $0xA;
	_ =	sdelay $0x2  }
0x189: {  	s15 =	simm.s32 $0xCA80;
	s13 =	sadd.s32 s3, s13  }
0x18a: {  	[tilespmem:s15], [sflag:$0x1] =	stream.linear.gather [hbm4b:s13+s2], $0x180, $0x38;
	[tilespmem:$0x10080] =	vst v63  }
0x18b: {  	s13 =	sand.u32 $0x1FFFFFC0, s14;
	s14 =	spop (v2sf);
	(v2sf) =	vpush v0, $0xB  }
0x18c: {  	s15 =	simm.s32 $0xCC80;
	s13 =	sadd.s32 s3, s13  }
0x18d: {  	[tilespmem:s15], [sflag:$0x1] =	stream.linear.gather [hbm4b:s13+s2], $0x180, $0x38;
	[tilespmem:$0x10080] =	vst v63  }
0x18e: {  	s13 =	sand.u32 $0x1FFFFFC0, s14;
	s14 =	spop (v2sf);
	(v2sf) =	vpush v0, $0xC;
	_ =	sdelay $0x1  }
0x18f: {  	s15 =	simm.s32 $0xCE80;
	s13 =	sadd.s32 s3, s13  }
0x190: {  	[tilespmem:s15], [sflag:$0x1] =	stream.linear.gather [hbm4b:s13+s2], $0x180, $0x38;
	[tilespmem:$0x10080] =	vst v63  }
0x191: {  	s13 =	sand.u32 $0x1FFFFFC0, s14  }
0x192: {  	s15 =	simm.s32 $0xD080;
	s13 =	sadd.s32 s3, s13;
	s14 =	spop (v2sf);
	(v2sf) =	vpush v0, $0xD  }
0x193: {  	[tilespmem:s15], [sflag:$0x1] =	stream.linear.gather [hbm4b:s13+s2], $0x180, $0x38;
	[tilespmem:$0x10080] =	vst v63  }
0x194: {  	s13 =	sand.u32 $0x1FFFFFC0, s14;
	s14 =	spop (v2sf);
	(v2sf) =	vpush v0, $0xE;
	_ =	sdelay $0x1  }
0x195: {  	s15 =	simm.s32 $0xD280;
	s13 =	sadd.s32 s3, s13  }
0x196: {  	[tilespmem:s15], [sflag:$0x1] =	stream.linear.gather [hbm4b:s13+s2], $0x180, $0x38;
	[tilespmem:$0x10080] =	vst v63  }
0x197: {  	s13 =	sand.u32 $0x1FFFFFC0, s14  }
0x198: {  	s15 =	simm.s32 $0xD480;
	s13 =	sadd.s32 s3, s13;
	s14 =	spop (v2sf);
	(v2sf) =	vpush v0, $0xF  }
0x199: {  	[tilespmem:s15], [sflag:$0x1] =	stream.linear.gather [hbm4b:s13+s2], $0x180, $0x38;
	[tilespmem:$0x10080] =	vst v63  }
0x19a: {  	s13 =	sand.u32 $0x1FFFFFC0, s14  }
0x19b: {  	s15 =	simm.s32 $0xD680;
	s13 =	sadd.s32 s3, s13;
	s14 =	spop (v2sf)  }
0x19c: {  	[tilespmem:s15], [sflag:$0x1] =	stream.linear.gather [hbm4b:s13+s2], $0x180, $0x38;
	[tilespmem:$0x10080] =	vst v63  }
0x19d: {  	s13 =	sand.u32 $0x1FFFFFC0, s14  }
0x19e: {  	s15 =	simm.s32 $0xD880;
	s13 =	sadd.s32 s3, s13  }
0x19f: {  	[tilespmem:s15], [sflag:$0x1] =	stream.linear.gather [hbm4b:s13+s2], $0x180, $0x38;
	[tilespmem:$0x10080] =	vst v63  }
0x1a0: {  	s15 =	spop (v2sf)  }
0x1a1: {  	s13 =	sand.u32 $0x1FFFFFC0, s15  }
0x1a2: {  	s14 =	spop (v2sf);
	s13 =	sadd.s32 s3, s13  }
0x1a3: {  	[tilespmem:s16], [sflag:$0x1] =	stream.linear.gather [hbm4b:s13+s2], $0x180, $0x38;
	[tilespmem:$0x10080] =	vst v63  }
0x1a4: {  	s13 =	sand.u32 $0x1FFFFFC0, s14  }
0x1a5: {  	s13 =	sadd.s32 s3, s13  }
0x1a6: {  	[tilespmem:s17], [sflag:$0x1] =	stream.linear.gather [hbm4b:s13+s2], $0x180, $0x38;
	[tilespmem:$0x10080] =	vst v63  }
0x1a7: {  	s15 =	spop (v2sf)  }
0x1a8: {  	s13 =	sand.u32 $0x1FFFFFC0, s15  }
0x1a9: {  	s13 =	sadd.s32 s3, s13  }
0x1aa: {  	[tilespmem:s18], [sflag:$0x1] =	stream.linear.gather [hbm4b:s13+s2], $0x180, $0x38;
	[tilespmem:$0x10080] =	vst v63  }
0x1ab: {  	v63 =	vld [tilespmem:$0x70];
	_ =	sdelay $0x4  }
0x1ac: {  	v0 =	vshll.u32 v63, $0x6  }
0x1ad: {  	(v2sf) =	vpush v0, $0x0;
	_ =	sdelay $0x2  }
0x1ae: {  	(v2sf) =	vpush v0, $0x1  }
0x1af: {  	(v2sf) =	vpush v0, $0x2;
	_ =	sdelay $0x2  }
0x1b0: {  	(v2sf) =	vpush v0, $0x3;
	_ =	sdelay $0x1  }
0x1b1: {  	(v2sf) =	vpush v0, $0x4;
	_ =	sdelay $0x5  }
0x1b2: {  	s14 =	spop (v2sf);
	(v2sf) =	vpush v0, $0x5;
	_ =	sdelay $0x2  }
0x1b3: {  	s13 =	sand.u32 $0x1FFFFFC0, s14;
	s15 =	spop (v2sf)  }
0x1b4: {  	s13 =	sadd.s32 s3, s13;
	s14 =	spop (v2sf)  }
0x1b5: {  	(v2sf) =	vpush v0, $0x6;
	[tilespmem:s19], [sflag:$0x1] =	stream.linear.gather [hbm4b:s13+s2], $0x180, $0x38;
	[tilespmem:$0x10080] =	vst v63  }
0x1b6: {  	s13 =	sand.u32 $0x1FFFFFC0, s15  }
0x1b7: {  	s15 =	spop (v2sf);
	(v2sf) =	vpush v0, $0x7;
	s13 =	sadd.s32 s3, s13  }
0x1b8: {  	[tilespmem:s20], [sflag:$0x1] =	stream.linear.gather [hbm4b:s13+s2], $0x180, $0x38;
	[tilespmem:$0x10080] =	vst v63  }
0x1b9: {  	s13 =	sand.u32 $0x1FFFFFC0, s14;
	s14 =	spop (v2sf);
	(v2sf) =	vpush v0, $0x8  }
0x1ba: {  	s13 =	sadd.s32 s3, s13  }
0x1bb: {  	[tilespmem:s21], [sflag:$0x1] =	stream.linear.gather [hbm4b:s13+s2], $0x180, $0x38;
	[tilespmem:$0x10080] =	vst v63  }
0x1bc: {  	s13 =	sand.u32 $0x1FFFFFC0, s15  }
0x1bd: {  	s13 =	sadd.s32 s3, s13  }
0x1be: {  	[tilespmem:s22], [sflag:$0x1] =	stream.linear.gather [hbm4b:s13+s2], $0x180, $0x38;
	[tilespmem:$0x10080] =	vst v63  }
0x1bf: {  	s15 =	spop (v2sf);
	(v2sf) =	vpush v0, $0x9  }
0x1c0: {  	s13 =	sand.u32 $0x1FFFFFC0, s14  }
0x1c1: {  	s13 =	sadd.s32 s3, s13;
	(v2sf) =	vpush v0, $0xA  }
0x1c2: {  	[tilespmem:s23], [sflag:$0x1] =	stream.linear.gather [hbm4b:s13+s2], $0x180, $0x38;
	[tilespmem:$0x10080] =	vst v63  }
0x1c3: {  	s13 =	sand.u32 $0x1FFFFFC0, s15  }
0x1c4: {  	s13 =	sadd.s32 s3, s13;
	s14 =	spop (v2sf)  }
0x1c5: {  	(v2sf) =	vpush v0, $0xB;
	[tilespmem:s24], [sflag:$0x1] =	stream.linear.gather [hbm4b:s13+s2], $0x180, $0x38;
	[tilespmem:$0x10080] =	vst v63  }
0x1c6: {  	s15 =	spop (v2sf);
	(v2sf) =	vpush v0, $0xC  }
0x1c7: {  	s13 =	sand.u32 $0x1FFFFFC0, s14  }
0x1c8: {  	s13 =	sadd.s32 s3, s13;
	s14 =	spop (v2sf);
	(v2sf) =	vpush v0, $0xD  }
0x1c9: {  	[tilespmem:s25], [sflag:$0x1] =	stream.linear.gather [hbm4b:s13+s2], $0x180, $0x38;
	[tilespmem:$0x10080] =	vst v63  }
0x1ca: {  	s13 =	sand.u32 $0x1FFFFFC0, s15  }
0x1cb: {  	s13 =	sadd.s32 s3, s13  }
0x1cc: {  	[tilespmem:s26], [sflag:$0x1] =	stream.linear.gather [hbm4b:s13+s2], $0x180, $0x38;
	[tilespmem:$0x10080] =	vst v63  }
0x1cd: {  	s13 =	sand.u32 $0x1FFFFFC0, s14  }
0x1ce: {  	s13 =	sadd.s32 s3, s13;
	s15 =	spop (v2sf);
	(v2sf) =	vpush v0, $0xE  }
0x1cf: {  	[tilespmem:s28], [sflag:$0x1] =	stream.linear.gather [hbm4b:s13+s2], $0x180, $0x38;
	[tilespmem:$0x10080] =	vst v63  }
0x1d0: {  	s14 =	spop (v2sf);
	(v2sf) =	vpush v0, $0xF  }
0x1d1: {  	s13 =	sand.u32 $0x1FFFFFC0, s15  }
0x1d2: {  	s13 =	sadd.s32 s3, s13  }
0x1d3: {  	[tilespmem:s29], [sflag:$0x1] =	stream.linear.gather [hbm4b:s13+s2], $0x180, $0x38;
	[tilespmem:$0x10080] =	vst v63  }
0x1d4: {  	s15 =	spop (v2sf);
	s13 =	sand.u32 $0x1FFFFFC0, s14  }
0x1d5: {  	s14 =	sand.u32 $0x1FFFFFC0, s15;
	s15 =	spop (v2sf);
	s13 =	sadd.s32 s3, s13  }
0x1d6: {  	[tilespmem:s30], [sflag:$0x1] =	stream.linear.gather [hbm4b:s13+s2], $0x180, $0x38;
	[tilespmem:$0x10080] =	vst v63  }
0x1d7: {  	s13 =	sadd.s32 s3, s14;
	s14 =	sand.u32 $0x1FFFFFC0, s15;
	s15 =	spop (v2sf)  }
0x1d8: {  	[tilespmem:s31], [sflag:$0x1] =	stream.linear.gather [hbm4b:s13+s2], $0x180, $0x38;
	[tilespmem:$0x10080] =	vst v63  }
0x1d9: {  	s13 =	sadd.s32 s3, s14;
	s14 =	sand.u32 $0x1FFFFFC0, s15  }
0x1da: {  	[tilespmem:s0], [sflag:$0x1] =	stream.linear.gather [hbm4b:s13+s2], $0x180, $0x38;
	[tilespmem:$0x10080] =	vst v63  }
0x1db: {  	s13 =	sadd.s32 s3, s14  }
0x1dc: {  	[tilespmem:s1], [sflag:$0x1] =	stream.linear.gather [hbm4b:s13+s2], $0x180, $0x38;
	[tilespmem:$0x10080] =	vst v63  }
0x1dd: {  	s15 =	spop (v2sf)  }
0x1de: {  	s14 =	sand.u32 $0x1FFFFFC0, s15  }
0x1df: {  	s15 =	spop (v2sf);
	s13 =	sadd.s32 s3, s14  }
0x1e0: {  	[tilespmem:s8], [sflag:$0x1] =	stream.linear.gather [hbm4b:s13+s2], $0x180, $0x38;
	[tilespmem:$0x10080] =	vst v63  }
0x1e1: {  	s13 =	sand.u32 $0x1FFFFFC0, s15  }
0x1e2: {  	s13 =	sadd.s32 s3, s13  }
0x1e3: {  	[tilespmem:s9], [sflag:$0x1] =	stream.linear.gather [hbm4b:s13+s2], $0x180, $0x38;
	[tilespmem:$0x10080] =	vst v63  }
0x1e4: {  	_ =	swait.ge [sflag:s10], $0xC000  }
0x1e5: {  	s14 =	simm.s32 $0x280;
	[sflag:s10] =	ssyncset.done $0x0  }
0x1e6: {  	s15 =	sadd.s32 $0x0, s5;
	s13 =	simm.s32 $0x40;
	[sflag:s10] =	ssyncadd.s32 $0xFFFF4000  }
.LBB2_2:
0x1e7: {  	[hbm4b:s15+s2] =	stream.linear.scatter [tilespmem:s12], [sflag:$0x2], $0x180, $0x38;
	[tilespmem:$0x10080] =	vst v63  }
0x1e8: {  	s15 =	smov.u32 s13;
	s12 =	smov.u32 s14;
	p0 =	sne.s32 s13, $0x1FC0  }
.Ltmp0:
0x1e9: {  	s13 =	sadd.s32 $0x40, s13;
	(pc) =	sbr.rel @p0 .LBB2_2-.Ltmp0, $2  }
0x1ea: {  	_ =	sdelay $0x2  }
0x1eb: {  	s14 =	sadd.s32 $0x200, s14;
	s15 =	sadd.s32 s15, s5  }
0x1ec: {  	s11 =	sadd.s32 $0x1, s11  }
0x1ed: {  	p0 =	sne.s32 s11, s6  }
.Ltmp1:
0x1ee: {  	_ = 	snop;
	(pc) =	sbr.rel @p0 .LBB2_1-.Ltmp1, $4  }
0x1ef: {  	[hbm4b:s15+s2] =	stream.linear.scatter [tilespmem:s12], [sflag:$0x2], $0x180, $0x38;
	[tilespmem:$0x10080] =	vst v63  }
0x1f0: {  	_ =	swait.ge [sflag:s7], $0xC000  }
0x1f1: {  	[sflag:s7] =	ssyncset.done $0x0  }
0x1f2: {  	[sflag:s7] =	ssyncadd.s32 $0xFFFF4000  }
0x1f3: {  	_ =	sfence.sel $0x180000  }
0x1f4: {  	[bflag:$0x0] =	sbarrier.arrive $0xFFFF  }
0x1f5: {  	_ =	strace $0x90000047  }
0x1f6: {  	s0 =	stileid.u32;
	[bflag:$0x2] =	sbarrier.arrive $0xFFFF  }
0x1f7: {  	p0 =	sne.s32 s0, $0x0;
	s0 =	rddreg [dreg:$0x2]  }
0x1f8: {  	s0 =	sadd.s32 @!p0 $0x100000, s0  }
0x1f9: {  	[sflag:s0] =	ssyncadd.tile.s32 @!p0 $0x1;
	_ =	shalt  }
.Lfunc_end2:
_tile_overlayer_lowered:
.L_overlay_start_2:
0x1fa: {  	(tag) =	ssettag $0x2  }
0x1fb: {  	s0 =	rddreg [dreg:$0x0];
	s2 =	stileid.u32  }
0x1fc: {  	s1 =	rddreg [dreg:$0x1];
	p0 =	sne.s32 s2, $0x0  }
0x1fd: {  	s3 =	rddreg [dreg:$0x2];
	[bflag:$0x3] =	sbarrier.arrive $0xFFFF;
	s2 =	simm.s32 @!p0 $0x1C02  }
0x1fe: {  	[timem:s3], [sflag:s2] =	dma.local @!p0 [hbm:s0], s1  }
0x1ff: {  	s0 =	simm.s32 @!p0 $0x2  }
0x200: {  	_ =	swait.ge @!p0 [sflag:s0], s1  }
0x201: {  	s1 =	ssub.s32 @!p0 $0x0, s1;
	[sflag:s0] =	ssyncset.done @!p0 $0x0  }
0x202: {  	[sflag:s0] =	ssyncadd.s32 @!p0 s1  }
0x203: {  	[bflag:$0x3] =	sbarrier.arrive $0xFFFF  }
0x204: {  	_ =	shalt  }

// kernel: kernel.15.cloned.1.call-start
scs
__scs_entry_jumppad:
0x0: {  	(pc) =	sbr.rel $0x88, $3  }
0x1: {  	(tag) =	ssettag $0x0;
	lr =	simm.s32 $0x1  }
0x2: {  	[smem:$0x3F9C] =	sst lr;
	_ =	strace $0xD0000000  }
0x3: {  	_ = 	snop  }
0x4: {  	_ = 	snop  }
0x5: {  	_ = 	snop  }
0x6: {  	_ = 	snop  }
0x7: {  	_ = 	snop  }
__scs_overlays_trampoline_lowered:
0x8: {  	[smem:$0x3FAB] =	sst s0  }
0x9: {  	[smem:$0x3FAC] =	sst s1  }
0xa: {  	[smem:$0x3FAD] =	sst s2  }
0xb: {  	[smem:$0x3FAE] =	sst s3  }
0xc: {  	[smem:$0x3FAF] =	sst s4  }
0xd: {  	[smem:$0x3FB0] =	sst s5  }
0xe: {  	[smem:$0x3FB1] =	sst s6  }
0xf: {  	[smem:$0x3FB2] =	sst s7  }
0x10: {  	[smem:$0x3FB3] =	sst s8  }
0x11: {  	[smem:$0x3FB4] =	sst s9;
	s0 =	simm.s32 @!p0 $0x0  }
0x12: {  	s1 =	sld [smem:$0x3F9A];
	s0 =	simm.s32 @p0 $0x1  }
0x13: {  	[smem:$0x3FB5] =	sst s0;
	s0 =	simm.s32 @!p1 $0x0  }
0x14: {  	s2 =	sld [smem:$0x3F99];
	s0 =	simm.s32 @p1 $0x1  }
0x15: {  	[smem:$0x3FB6] =	sst s0;
	s0 =	simm.s32 @!p2 $0x0  }
0x16: {  	s3 =	sld [smem:$0x3FDB];
	s0 =	simm.s32 @p2 $0x1  }
0x17: {  	s4 =	simm.s32 $0x1BF5;
	[smem:$0x3FB8] =	sst s0  }
0x18: {  	s0 =	sld [smem:$0x3F9B];
	_ =	swait.ge [sflag:s4], $0x0  }
0x19: {  	s7 =	sld [smem:$0x3F9C]  }
0x1a: {  	s8 =	sadd.s32 $0xFFFFE003, lr  }
0x1b: {  	s9 =	sadd.s32 $0xFFFFFEF7, lr;
	s5 =	simm.s32 $0xFFFFFFFF;
	p2 =	slt.u32 s8, $0xFFFFF086  }
0x1c: {  	p1 =	slt.u32 s9, $0xF7A;
	s5 =	simm.s32 @!p2 $0x0  }
0x1d: {  	s5 =	simm.s32 @p1 $0x1;
	p0 =	seq.s32 s7, s2  }
0x1e: {  	s7 =	smul.u32 @!p0 $0xF7A, s2;
	p2 =	seq.s32 @!p0 s5, $0x0  }
0x1f: {  	s9 =	smul.u32 $0xF7A, s1;
	s8 =	simm.s32 @!p0 $0x1BF5;
	p2 =	por !p2, p0  }
0x20: {  	[sflag:s8] =	ssyncset.s32 @!p0 $0xFFFFF086;
	s6 =	sadd.s32 @!p0 s3, s7;
	s7 =	simm.s32 @!p0 $0x108  }
0x21: {  	s3 =	sadd.s32 s3, s9;
	s6 =	sadd.s32 @!p0 $0x88, s6;
	s7 =	simm.s32 @p2 $0x1082  }
0x22: {  	[simem:s7], [sflag:s8] =	dma.local @!p0 [hbm:s6], $0xF7A  }
0x23: {  	s9 =	sor.u32 $0xD0000000, s2;
	s6 =	simm.s32 $0x108;
	_ =	swait.ge @!p0 [sflag:s8], $0x0  }
0x24: {  	s3 =	sadd.s32 $0x88, s3;
	s6 =	simm.s32 @!p1 $0x1082;
	[sflag:s4] =	ssyncset.s32 $0xFFFFF086  }
0x25: {  	[simem:s6], [sflag:s4] =	dma.local [hbm:s3], $0xF7A  }
0x26: {  	[smem:$0x3F9C] =	sst s1;
	(tag) =	ssettag s2;
	_ =	strace s9  }
0x27: {  	s1 =	sld [smem:$0x3FAC]  }
0x28: {  	s2 =	sld [smem:$0x3FAD]  }
0x29: {  	s4 =	sld [smem:$0x3FAF]  }
0x2a: {  	p0 =	seq.s32 s5, $0x0;
	s5 =	sld [smem:$0x3FB0]  }
0x2b: {  	s6 =	sld [smem:$0x3FB1]  }
0x2c: {  	s7 =	sld [smem:$0x3FB2]  }
0x2d: {  	s3 =	simm.s32 $0x108;
	s8 =	sld [smem:$0x3FB3]  }
0x2e: {  	s3 =	simm.s32 @!p0 $0x1082;
	s9 =	sld [smem:$0x3FB4]  }
0x2f: {  	lr =	sadd.s32 s0, s3;
	s0 =	sld [smem:$0x3FAB]  }
0x30: {  	s3 =	sld [smem:$0x3FAE]  }
0x31: {  	[smem:$0x3FB7] =	sst s10  }
0x32: {  	s10 =	sld [smem:$0x3FB5];
	_ =	sdelay $0x3  }
0x33: {  	p0 =	seq.s32 s10, $0x1;
	s10 =	sld [smem:$0x3FB7];
	_ =	sdelay $0x3  }
0x34: {  	[smem:$0x3FB7] =	sst s10  }
0x35: {  	s10 =	sld [smem:$0x3FB6];
	_ =	sdelay $0x3  }
0x36: {  	p1 =	seq.s32 s10, $0x1;
	s10 =	sld [smem:$0x3FB7];
	_ =	sdelay $0x3  }
0x37: {  	[smem:$0x3FB7] =	sst s10  }
0x38: {  	s10 =	sld [smem:$0x3FB8]  }
0x39: {  	_ = 	snop;
	(pc) =	sbr.ind lr, $3  }
0x3a: {  	_ = 	snop  }
0x3b: {  	_ = 	snop  }
0x3c: {  	p2 =	seq.s32 s10, $0x1;
	s10 =	sld [smem:$0x3FB7]  }
0x3d: {  	_ =	shalt  }
0x3e: {  	_ =	shalt  }
0x3f: {  	_ =	shalt  }
0x40: {  	_ =	shalt  }
0x41: {  	_ =	shalt  }
0x42: {  	_ =	shalt  }
0x43: {  	_ =	shalt  }
0x44: {  	_ =	shalt  }
0x45: {  	_ =	shalt  }
0x46: {  	_ =	shalt  }
0x47: {  	_ =	shalt  }
0x48: {  	_ =	shalt  }
0x49: {  	_ =	shalt  }
0x4a: {  	_ =	shalt  }
0x4b: {  	_ =	shalt  }
0x4c: {  	_ =	shalt  }
0x4d: {  	_ =	shalt  }
0x4e: {  	_ =	shalt  }
0x4f: {  	_ =	shalt  }
0x50: {  	_ =	shalt  }
0x51: {  	_ =	shalt  }
0x52: {  	_ =	shalt  }
0x53: {  	_ =	shalt  }
0x54: {  	_ =	shalt  }
0x55: {  	_ =	shalt  }
0x56: {  	_ =	shalt  }
0x57: {  	_ =	shalt  }
0x58: {  	_ =	shalt  }
0x59: {  	_ =	shalt  }
0x5a: {  	_ =	shalt  }
0x5b: {  	_ =	shalt  }
0x5c: {  	_ =	shalt  }
0x5d: {  	_ =	shalt  }
0x5e: {  	_ =	shalt  }
0x5f: {  	_ =	shalt  }
0x60: {  	_ =	shalt  }
0x61: {  	_ =	shalt  }
0x62: {  	_ =	shalt  }
0x63: {  	_ =	shalt  }
0x64: {  	_ =	shalt  }
0x65: {  	_ =	shalt  }
0x66: {  	_ =	shalt  }
0x67: {  	_ =	shalt  }
0x68: {  	_ =	shalt  }
0x69: {  	_ =	shalt  }
0x6a: {  	_ =	shalt  }
0x6b: {  	_ =	shalt  }
0x6c: {  	_ =	shalt  }
0x6d: {  	_ =	shalt  }
0x6e: {  	_ =	shalt  }
0x6f: {  	_ =	shalt  }
0x70: {  	_ =	shalt  }
0x71: {  	_ =	shalt  }
0x72: {  	_ =	shalt  }
0x73: {  	_ =	shalt  }
0x74: {  	_ =	shalt  }
0x75: {  	_ =	shalt  }
0x76: {  	_ =	shalt  }
0x77: {  	_ =	shalt  }
0x78: {  	_ =	shalt  }
0x79: {  	_ =	shalt  }
0x7a: {  	_ =	shalt  }
0x7b: {  	_ =	shalt  }
0x7c: {  	_ =	shalt  }
0x7d: {  	_ =	shalt  }
0x7e: {  	_ =	shalt  }
0x7f: {  	_ =	shalt  }
0x80: {  	_ =	shalt  }
0x81: {  	_ =	shalt  }
0x82: {  	_ =	shalt  }
0x83: {  	_ =	shalt  }
0x84: {  	_ =	shalt  }
0x85: {  	_ =	shalt  }
0x86: {  	_ =	shalt  }
0x87: {  	_ =	shalt  }
.Lfunc_end0:
.L_simem_size_0:
called_computation.1_lowered:
.L_overlay_start_0:
0x88: {  	s2 =	sld [smem:$0x3FD9]  }
0x89: {  	s3 =	sld [smem:$0x3FFE];
	_ =	sdelay $0x1  }
0x8a: {  	s1 =	srdreg.scid  }
0x8b: {  	s0 =	sand.u32 $0x1, s1  }
0x8c: {  	s17 =	sshll.u32 s0, $0xA;
	s2 =	sadd.s32 s3, s2  }
0x8d: {  	s2 =	sadd.s32 s2, s17  }
0x8e: {  	[smem:$0x3FC3] =	sst s2  }
0x8f: {  	_ = 	snop  }
0x90: {  	s18 =	sld [smem:$0x3FC8];
	(tm) =	ssettm $0x1  }
0x91: {  	s19 =	sld [smem:$0x3FFB];
	_ =	sdelay $0x3  }
0x92: {  	_ =	strace s19  }
0x93: {  	s2 =	sld [smem:$0x3FFC];
	_ =	sdelay $0x3  }
0x94: {  	_ =	strace s2  }
0x95: {  	s2 =	sld [smem:$0x3FFD];
	_ =	sdelay $0x3  }
0x96: {  	_ =	strace s2  }
0x97: {  	_ =	strace $0x8FFFFFFF  }
0x98: {  	s20 =	sld [smem:$0x3FDB];
	_ =	sdelay $0x1  }
0x99: {  	s4 =	simm.s32 $_scs_section_size  }
0x9a: {  	s5 =	simm.s32 $_size__tile_overlayer_lowered;
	s6 =	simm.s32 $_tile_overlayer_lowered  }
0x9b: {  	s7 =	simm.s32 $0x1BFF;
	s21 =	sshll.u32 s6, $0x1;
	s4 =	sadd.s32 s4, s20  }
0x9c: {  	s22 =	simm.s32 $0x0;
	s5 =	sshll.u32 s5, $0x1;
	s6 =	sadd.s32 s21, s4  }
0x9d: {  	[timem:s22], [sflag:s7] =	dma.local [hbm:s6], s5  }
0x9e: {  	_ =	swait.ge [sflag:s7], s5  }
0x9f: {  	s5 =	ssub.s32 $0x0, s5;
	[sflag:s7] =	ssyncset.done $0x0  }
0xa0: {  	[sflag:s7] =	ssyncadd.s32 s5;
	_ =	sdelay $0x1  }
0xa1: {  	s23 =	simm.s32 $0x1B8B  }
0xa2: {  	_ =	swait.ge [sflag:s23], $0x1  }
0xa3: {  	[sflag:s23] =	ssyncset.done $0x0  }
0xa4: {  	[sflag:s23] =	ssyncadd.s32 $0xFFFFFFFF  }
0xa5: {  	s5 =	sld [smem:$0x0]  }
0xa6: {  	s6 =	sand.u32 $0xFFFFFFFE, s1  }
0xa7: {  	p0 =	sne.s32 s1, s6  }
0xa8: {  	s6 =	sshll.u32 @p0 s6, $0xE  }
0xa9: {  	s6 =	sadd.s32 @p0 $0x11B8D, s6;
	s7 =	sshll.u32 @p0 s5, $0x11  }
0xaa: {  	s6 =	sor.u32 @p0 s7, s6  }
0xab: {  	[sflag:s6] =	ssyncadd.remote.s32 @p0 $0x1;
	_ =	sdelay $0x1  }
0xac: {  	s6 =	simm.s32 @p0 $0x1B8D  }
0xad: {  	_ =	swait.eq @p0 [sflag:s6], $0x1  }
0xae: {  	[sflag:s6] =	ssyncadd.s32 @p0 $0xFFFFFFFF  }
0xaf: {  	s7 =	sshll.u32 @!p0 s1, $0xE  }
0xb0: {  	s7 =	sor.u32 @!p0 $0x4000, s7;
	s6 =	simm.s32 @!p0 $0x1B8D  }
0xb1: {  	s5 =	sshll.u32 @!p0 s5, $0x11;
	s7 =	sadd.s32 @!p0 $0x11B8D, s7;
	_ =	swait.eq @!p0 [sflag:s6], $0x1  }
0xb2: {  	s5 =	sor.u32 @!p0 s5, s7;
	[sflag:s6] =	ssyncadd.s32 @!p0 $0xFFFFFFFF  }
0xb3: {  	s25 =	simm.s32 $0x1B8E;
	s24 =	sld [smem:$0x3FFE];
	[sflag:s5] =	ssyncadd.remote.s32 @!p0 $0x1  }
0xb4: {  	s26 =	simm.s32 $execute0_lowered;
	[smem:$0x3FD2] =	sst s25  }
0xb5: {  	s6 =	sshll.u32 s26, $0x1;
	_ =	strace $0x80000049;
	[dreg:$0x1] =	wrdreg $0xFFFFFFFF  }
0xb6: {  	s28 =	simm.s32 $_size_execute0_lowered;
	s4 =	sadd.s32 s4, s6;
	[dreg:$0x0] =	wrdreg $0x0  }
0xb7: {  	s6 =	sshll.u32 s28, $0x1;
	[dreg:$0x2] =	wrdreg s4  }
0xb8: {  	[dreg:$0x3] =	wrdreg s6  }
0xb9: {  	[dreg:$0x4] =	wrdreg $0xC0  }
0xba: {  	_ =	task [dreg:s22], $0x5FFFF  }
0xbb: {  	[dreg:$0x1] =	wrdreg $0xFFFFFFFF  }
0xbc: {  	[dreg:$0x0] =	wrdreg $0x60  }
0xbd: {  	[dreg:$0x2] =	wrdreg s24  }
0xbe: {  	[dreg:$0x3] =	wrdreg s18  }
0xbf: {  	[dreg:$0x4] =	wrdreg $0xA  }
0xc0: {  	_ =	task.clear_ibuf [dreg:s22], $0x5FFFF;
	_ =	strace $0x90000049  }
0xc1: {  	s29 =	simm.s32 $0xA;
	_ =	strace $0x8000004B  }
0xc2: {  	_ =	swait.ge [sflag:s29], $0x1  }
0xc3: {  	[sflag:s29] =	ssyncadd.s32 $0xFFFFFFFF  }
0xc4: {  	_ =	strace $0x9000004B  }
0xc5: {  	_ =	sfence  }
0xc6: {  	s30 =	sld [smem:$0x0];
	_ =	sdelay $0x2  }
0xc7: {  	s31 =	sshll.u32 s1, $0xD;
	s1 =	sshrl.u32 s1, $0x2  }
0xc8: {  	s4 =	sand.u32 $0x4000, s31;
	s1 =	sadd.s32 s1, s30  }
0xc9: {  	s0 =	sor.u32 s4, s0;
	s1 =	sshll.u32 s1, $0x11  }
0xca: {  	s0 =	sor.u32 s1, s0  }
0xcb: {  	s0 =	sadd.s32 $0x8F2B, s0  }
0xcc: {  	[sflag:s0] =	ssyncadd.remote.s32 $0x1  }
0xcd: {  	_ =	sfence.sel $0xFFFF  }
0xce: {  	[dreg:$0x0] =	wrdreg $0xFFFFFFFF;
	(pc) =	sbr.abs _section_cstart, $3  }
0xcf: {  	[dreg:$0x1] =	wrdreg $0xFFFFFFFF  }
0xd0: {  	_ =	task.clear_ibuf [dreg:s22], $0x2FFFF;
	_ =	strace $0x9FFFFFFF  }
0xd1: {  	(tm) =	ssettm $0x7FFFFFFF  }
tec
execute0_lowered:
.L_overlay_start_1:
0x0: {  	(tag) =	ssettag $0x1  }
0x1: {  	s0 =	rddreg [dreg:$0x0]  }
0x2: {  	s1 =	rddreg [dreg:$0x1];
	s2 =	simm.s32 $0x0;
	s3 =	srdreg.scid  }
0x3: {  	s5 =	stileid.u32;
	s16 =	simm.s32 $0xDA80;
	s17 =	simm.s32 $0xDC80  }
0x4: {  	s18 =	simm.s32 $0xDE80;
	s19 =	simm.s32 $0xE080;
	s20 =	simm.s32 $0xE280  }
0x5: {  	s21 =	simm.s32 $0xE480;
	s22 =	simm.s32 $0xE680;
	s23 =	simm.s32 $0xE880  }
0x6: {  	s24 =	simm.s32 $0xEA80;
	s25 =	simm.s32 $0xEC80;
	s28 =	simm.s32 $0xF080  }
0x7: {  	s29 =	simm.s32 $0xF280;
	s30 =	simm.s32 $0xF480;
	s31 =	simm.s32 $0xF680  }
0x8: {  	s8 =	simm.s32 $0xFC80;
	s9 =	simm.s32 $0xFE80;
	s10 =	simm.s32 $0x1  }
0x9: {  	s11 =	simm.s32 $0x0;
	[smem:$0x7FF] =	sst s2;
	s4 =	sand.u32 $0x1, s3  }
0xa: {  	s5 =	sshll.u32 s5, $0x8;
	s3 =	sadd.s32 $0x65BC00, s0;
	s6 =	sshll.u32 s4, $0x7  }
0xb: {  	_ =	strace $0x8000004A;
	s4 =	ssub.s32 $0x2, s4;
	s5 =	sor.u32 s6, s5  }
0xc: {  	s7 =	sshrl.u32 s4, $0x1;
	s6 =	sshll.u32 s5, $0x6;
	s5 =	sshrl.u32 s5, $0x3  }
0xd: {  	s26 =	ssub.s32 s4, s7;
	s7 =	simm.s32 $0x2;
	s0 =	sadd.s32 s6, s0  }
0xe: {  	s4 =	sadd.s32 s1, s5;
	s6 =	smax.u32 s26, $0x1;
	s26 =	simm.s32 $0xEE80  }
0xf: {  	s1 =	simm.s32 $0xFA80;
	s5 =	sadd.s32 $0xC76400, s0;
	s0 =	simm.s32 $0xF880  }
.LBB2_1:
0x10: {  	[tilespmem:s2], [sflag:$0x2] =	stream.linear.gather [hbm4b:s4+s2], $0x80, $0x38;
	[tilespmem:$0x10080] =	vst v63  }
0x11: {  	_ =	swait.ge [sflag:s7], $0x80  }
0x12: {  	[sflag:s7] =	ssyncset.done $0x0  }
0x13: {  	[sflag:s7] =	ssyncadd.s32 $0xFFFFFF80  }
0x14: {  	v0 =	vld [tilespmem:$0x0];
	_ =	sdelay $0x4  }
0x15: {  	v0 =	vshll.u32 v0, $0x6  }
0x16: {  	(v2sf) =	vpush v0, $0x0;
	_ =	sdelay $0x1  }
0x17: {  	(v2sf) =	vpush v0, $0x1;
	_ =	sdelay $0x4  }
0x18: {  	(v2sf) =	vpush v0, $0x2;
	_ =	sdelay $0x4  }
0x19: {  	(v2sf) =	vpush v0, $0x3;
	_ =	sdelay $0x2  }
0x1a: {  	s12 =	spop (v2sf);
	(v2sf) =	vpush v0, $0x4  }
0x1b: {  	s12 =	sand.u32 $0x1FFFFFC0, s12  }
0x1c: {  	s15 =	spop (v2sf);
	(v2sf) =	vpush v0, $0x5;
	s13 =	sadd.s32 s3, s12;
	s12 =	simm.s32 $0x80  }
0x1d: {  	[tilespmem:s12], [sflag:$0x1] =	stream.linear.gather [hbm4b:s13+s2], $0x180, $0x38;
	[tilespmem:$0x10080] =	vst v63  }
0x1e: {  	s13 =	sand.u32 $0x1FFFFFC0, s15  }
0x1f: {  	s14 =	simm.s32 $0x280;
	s13 =	sadd.s32 s3, s13  }
0x20: {  	[tilespmem:s14], [sflag:$0x1] =	stream.linear.gather [hbm4b:s13+s2], $0x180, $0x38;
	[tilespmem:$0x10080] =	vst v63  }
0x21: {  	s14 =	spop (v2sf);
	(v2sf) =	vpush v0, $0x6;
	_ =	sdelay $0x1  }
0x22: {  	(v2sf) =	vpush v0, $0x7;
	_ =	sdelay $0x1  }
0x23: {  	s13 =	sand.u32 $0x1FFFFFC0, s14  }
0x24: {  	s15 =	simm.s32 $0x480;
	s14 =	spop (v2sf);
	s13 =	sadd.s32 s3, s13  }
0x25: {  	[tilespmem:s15], [sflag:$0x1] =	stream.linear.gather [hbm4b:s13+s2], $0x180, $0x38;
	[tilespmem:$0x10080] =	vst v63  }
0x26: {  	s13 =	sand.u32 $0x1FFFFFC0, s14  }
0x27: {  	s15 =	simm.s32 $0x680;
	s13 =	sadd.s32 s3, s13;
	s14 =	spop (v2sf);
	(v2sf) =	vpush v0, $0x8  }
0x28: {  	[tilespmem:s15], [sflag:$0x1] =	stream.linear.gather [hbm4b:s13+s2], $0x180, $0x38;
	[tilespmem:$0x10080] =	vst v63  }
0x29: {  	s13 =	sand.u32 $0x1FFFFFC0, s14;
	s14 =	spop (v2sf);
	(v2sf) =	vpush v0, $0x9;
	_ =	sdelay $0x1  }
0x2a: {  	s15 =	simm.s32 $0x880;
	s13 =	sadd.s32 s3, s13  }
0x2b: {  	[tilespmem:s15], [sflag:$0x1] =	stream.linear.gather [hbm4b:s13+s2], $0x180, $0x38;
	[tilespmem:$0x10080] =	vst v63  }
0x2c: {  	s13 =	sand.u32 $0x1FFFFFC0, s14  }
0x2d: {  	s15 =	simm.s32 $0xA80;
	s13 =	sadd.s32 s3, s13;
	s14 =	spop (v2sf);
	(v2sf) =	vpush v0, $0xA  }
0x2e: {  	[tilespmem:s15], [sflag:$0x1] =	stream.linear.gather [hbm4b:s13+s2], $0x180, $0x38;
	[tilespmem:$0x10080] =	vst v63  }
0x2f: {  	s13 =	sand.u32 $0x1FFFFFC0, s14;
	s14 =	spop (v2sf);
	(v2sf) =	vpush v0, $0xB;
	_ =	sdelay $0x2  }
0x30: {  	s15 =	simm.s32 $0xC80;
	s13 =	sadd.s32 s3, s13  }
0x31: {  	[tilespmem:s15], [sflag:$0x1] =	stream.linear.gather [hbm4b:s13+s2], $0x180, $0x38;
	[tilespmem:$0x10080] =	vst v63  }
0x32: {  	s13 =	sand.u32 $0x1FFFFFC0, s14  }
0x33: {  	s15 =	simm.s32 $0xE80;
	s13 =	sadd.s32 s3, s13;
	s14 =	spop (v2sf);
	(v2sf) =	vpush v0, $0xC  }
0x34: {  	[tilespmem:s15], [sflag:$0x1] =	stream.linear.gather [hbm4b:s13+s2], $0x180, $0x38;
	[tilespmem:$0x10080] =	vst v63  }
0x35: {  	s13 =	sand.u32 $0x1FFFFFC0, s14;
	s14 =	spop (v2sf);
	(v2sf) =	vpush v0, $0xD;
	_ =	sdelay $0x1  }
0x36: {  	s15 =	simm.s32 $0x1080;
	s13 =	sadd.s32 s3, s13  }
0x37: {  	[tilespmem:s15], [sflag:$0x1] =	stream.linear.gather [hbm4b:s13+s2], $0x180, $0x38;
	[tilespmem:$0x10080] =	vst v63  }
0x38: {  	s13 =	sand.u32 $0x1FFFFFC0, s14  }
0x39: {  	s15 =	simm.s32 $0x1280;
	s13 =	sadd.s32 s3, s13;
	s14 =	spop (v2sf);
	(v2sf) =	vpush v0, $0xE  }
0x3a: {  	[tilespmem:s15], [sflag:$0x1] =	stream.linear.gather [hbm4b:s13+s2], $0x180, $0x38;
	[tilespmem:$0x10080] =	vst v63  }
0x3b: {  	s13 =	sand.u32 $0x1FFFFFC0, s14;
	s14 =	spop (v2sf);
	(v2sf) =	vpush v0, $0xF  }
0x3c: {  	s15 =	simm.s32 $0x1480;
	s13 =	sadd.s32 s3, s13  }
0x3d: {  	[tilespmem:s15], [sflag:$0x1] =	stream.linear.gather [hbm4b:s13+s2], $0x180, $0x38;
	[tilespmem:$0x10080] =	vst v63  }
0x3e: {  	s13 =	sand.u32 $0x1FFFFFC0, s14  }
0x3f: {  	s15 =	simm.s32 $0x1680;
	s13 =	sadd.s32 s3, s13  }
0x40: {  	[tilespmem:s15], [sflag:$0x1] =	stream.linear.gather [hbm4b:s13+s2], $0x180, $0x38;
	[tilespmem:$0x10080] =	vst v63  }
0x41: {  	s14 =	spop (v2sf)  }
0x42: {  	s13 =	sand.u32 $0x1FFFFFC0, s14  }
0x43: {  	s15 =	simm.s32 $0x1880;
	s14 =	spop (v2sf);
	s13 =	sadd.s32 s3, s13  }
0x44: {  	[tilespmem:s15], [sflag:$0x1] =	stream.linear.gather [hbm4b:s13+s2], $0x180, $0x38;
	[tilespmem:$0x10080] =	vst v63  }
0x45: {  	s13 =	sand.u32 $0x1FFFFFC0, s14  }
0x46: {  	s15 =	simm.s32 $0x1A80;
	s13 =	sadd.s32 s3, s13  }
0x47: {  	[tilespmem:s15], [sflag:$0x1] =	stream.linear.gather [hbm4b:s13+s2], $0x180, $0x38;
	[tilespmem:$0x10080] =	vst v63  }
0x48: {  	s14 =	spop (v2sf)  }
0x49: {  	s13 =	sand.u32 $0x1FFFFFC0, s14  }
0x4a: {  	s15 =	simm.s32 $0x1C80;
	s14 =	spop (v2sf);
	s13 =	sadd.s32 s3, s13  }
0x4b: {  	[tilespmem:s15], [sflag:$0x1] =	stream.linear.gather [hbm4b:s13+s2], $0x180, $0x38;
	[tilespmem:$0x10080] =	vst v63  }
0x4c: {  	s13 =	sand.u32 $0x1FFFFFC0, s14  }
0x4d: {  	s15 =	simm.s32 $0x1E80;
	s13 =	sadd.s32 s3, s13  }
0x4e: {  	[tilespmem:s15], [sflag:$0x1] =	stream.linear.gather [hbm4b:s13+s2], $0x180, $0x38;
	[tilespmem:$0x10080] =	vst v63  }
0x4f: {  	v57 =	vld [tilespmem:$0x10];
	_ =	sdelay $0x4  }
0x50: {  	v0 =	vshll.u32 v57, $0x6  }
0x51: {  	(v2sf) =	vpush v0, $0x0;
	_ =	sdelay $0x1  }
0x52: {  	(v2sf) =	vpush v0, $0x1;
	_ =	sdelay $0x2  }
0x53: {  	(v2sf) =	vpush v0, $0x2;
	_ =	sdelay $0x1  }
0x54: {  	(v2sf) =	vpush v0, $0x3;
	_ =	sdelay $0x2  }
0x55: {  	(v2sf) =	vpush v0, $0x4;
	_ =	sdelay $0x4  }
0x56: {  	s14 =	spop (v2sf);
	(v2sf) =	vpush v0, $0x5  }
0x57: {  	s13 =	sand.u32 $0x1FFFFFC0, s14  }
0x58: {  	s15 =	simm.s32 $0x2080;
	s14 =	spop (v2sf);
	(v2sf) =	vpush v0, $0x6;
	s13 =	sadd.s32 s3, s13  }
0x59: {  	[tilespmem:s15], [sflag:$0x1] =	stream.linear.gather [hbm4b:s13+s2], $0x180, $0x38;
	[tilespmem:$0x10080] =	vst v63  }
0x5a: {  	s13 =	sand.u32 $0x1FFFFFC0, s14  }
0x5b: {  	s15 =	simm.s32 $0x2280;
	s14 =	spop (v2sf);
	s13 =	sadd.s32 s3, s13  }
0x5c: {  	[tilespmem:s15], [sflag:$0x1] =	stream.linear.gather [hbm4b:s13+s2], $0x180, $0x38;
	[tilespmem:$0x10080] =	vst v63  }
0x5d: {  	s13 =	sand.u32 $0x1FFFFFC0, s14;
	s14 =	spop (v2sf);
	(v2sf) =	vpush v0, $0x7  }
0x5e: {  	s15 =	simm.s32 $0x2480;
	s13 =	sadd.s32 s3, s13  }
0x5f: {  	[tilespmem:s15], [sflag:$0x1] =	stream.linear.gather [hbm4b:s13+s2], $0x180, $0x38;
	[tilespmem:$0x10080] =	vst v63  }
0x60: {  	s13 =	sand.u32 $0x1FFFFFC0, s14;
	s14 =	spop (v2sf);
	(v2sf) =	vpush v0, $0x8;
	_ =	sdelay $0x1  }
0x61: {  	s15 =	simm.s32 $0x2680;
	s13 =	sadd.s32 s3, s13  }
0x62: {  	[tilespmem:s15], [sflag:$0x1] =	stream.linear.gather [hbm4b:s13+s2], $0x180, $0x38;
	[tilespmem:$0x10080] =	vst v63  }
0x63: {  	s13 =	sand.u32 $0x1FFFFFC0, s14  }
0x64: {  	s15 =	simm.s32 $0x2880;
	s13 =	sadd.s32 s3, s13;
	s14 =	spop (v2sf);
	(v2sf) =	vpush v0, $0x9  }
0x65: {  	[tilespmem:s15], [sflag:$0x1] =	stream.linear.gather [hbm4b:s13+s2], $0x180, $0x38;
	[tilespmem:$0x10080] =	vst v63  }
0x66: {  	s13 =	sand.u32 $0x1FFFFFC0, s14;
	s14 =	spop (v2sf);
	(v2sf) =	vpush v0, $0xA;
	_ =	sdelay $0x2  }
0x67: {  	s15 =	simm.s32 $0x2A80;
	s13 =	sadd.s32 s3, s13  }
0x68: {  	[tilespmem:s15], [sflag:$0x1] =	stream.linear.gather [hbm4b:s13+s2], $0x180, $0x38;
	[tilespmem:$0x10080] =	vst v63  }
0x69: {  	s13 =	sand.u32 $0x1FFFFFC0, s14;
	s14 =	spop (v2sf);
	(v2sf) =	vpush v0, $0xB  }
0x6a: {  	s15 =	simm.s32 $0x2C80;
	s13 =	sadd.s32 s3, s13  }
0x6b: {  	[tilespmem:s15], [sflag:$0x1] =	stream.linear.gather [hbm4b:s13+s2], $0x180, $0x38;
	[tilespmem:$0x10080] =	vst v63  }
0x6c: {  	s13 =	sand.u32 $0x1FFFFFC0, s14;
	s14 =	spop (v2sf);
	(v2sf) =	vpush v0, $0xC;
	_ =	sdelay $0x1  }
0x6d: {  	s15 =	simm.s32 $0x2E80;
	s13 =	sadd.s32 s3, s13  }
0x6e: {  	[tilespmem:s15], [sflag:$0x1] =	stream.linear.gather [hbm4b:s13+s2], $0x180, $0x38;
	[tilespmem:$0x10080] =	vst v63  }
0x6f: {  	s13 =	sand.u32 $0x1FFFFFC0, s14  }
0x70: {  	s15 =	simm.s32 $0x3080;
	s13 =	sadd.s32 s3, s13;
	s14 =	spop (v2sf);
	(v2sf) =	vpush v0, $0xD  }
0x71: {  	[tilespmem:s15], [sflag:$0x1] =	stream.linear.gather [hbm4b:s13+s2], $0x180, $0x38;
	[tilespmem:$0x10080] =	vst v63  }
0x72: {  	s13 =	sand.u32 $0x1FFFFFC0, s14;
	s14 =	spop (v2sf);
	(v2sf) =	vpush v0, $0xE;
	_ =	sdelay $0x1  }
0x73: {  	s15 =	simm.s32 $0x3280;
	s13 =	sadd.s32 s3, s13  }
0x74: {  	[tilespmem:s15], [sflag:$0x1] =	stream.linear.gather [hbm4b:s13+s2], $0x180, $0x38;
	[tilespmem:$0x10080] =	vst v63  }
0x75: {  	s13 =	sand.u32 $0x1FFFFFC0, s14  }
0x76: {  	s15 =	simm.s32 $0x3480;
	s13 =	sadd.s32 s3, s13;
	s14 =	spop (v2sf);
	(v2sf) =	vpush v0, $0xF  }
0x77: {  	[tilespmem:s15], [sflag:$0x1] =	stream.linear.gather [hbm4b:s13+s2], $0x180, $0x38;
	[tilespmem:$0x10080] =	vst v63  }
0x78: {  	s13 =	sand.u32 $0x1FFFFFC0, s14  }
0x79: {  	s15 =	simm.s32 $0x3680;
	s13 =	sadd.s32 s3, s13;
	s14 =	spop (v2sf)  }
0x7a: {  	[tilespmem:s15], [sflag:$0x1] =	stream.linear.gather [hbm4b:s13+s2], $0x180, $0x38;
	[tilespmem:$0x10080] =	vst v63  }
0x7b: {  	s13 =	sand.u32 $0x1FFFFFC0, s14  }
0x7c: {  	s15 =	simm.s32 $0x3880;
	s13 =	sadd.s32 s3, s13  }
0x7d: {  	[tilespmem:s15], [sflag:$0x1] =	stream.linear.gather [hbm4b:s13+s2], $0x180, $0x38;
	[tilespmem:$0x10080] =	vst v63  }
0x7e: {  	s14 =	spop (v2sf)  }
0x7f: {  	s13 =	sand.u32 $0x1FFFFFC0, s14  }
0x80: {  	s15 =	simm.s32 $0x3A80;
	s14 =	spop (v2sf);
	s13 =	sadd.s32 s3, s13  }
0x81: {  	[tilespmem:s15], [sflag:$0x1] =	stream.linear.gather [hbm4b:s13+s2], $0x180, $0x38;
	[tilespmem:$0x10080] =	vst v63  }
0x82: {  	s13 =	sand.u32 $0x1FFFFFC0, s14  }
0x83: {  	s15 =	simm.s32 $0x3C80;
	s13 =	sadd.s32 s3, s13  }
0x84: {  	[tilespmem:s15], [sflag:$0x1] =	stream.linear.gather [hbm4b:s13+s2], $0x180, $0x38;
	[tilespmem:$0x10080] =	vst v63  }
0x85: {  	s14 =	spop (v2sf)  }
0x86: {  	s13 =	sand.u32 $0x1FFFFFC0, s14  }
0x87: {  	s15 =	simm.s32 $0x3E80;
	s13 =	sadd.s32 s3, s13  }
0x88: {  	[tilespmem:s15], [sflag:$0x1] =	stream.linear.gather [hbm4b:s13+s2], $0x180, $0x38;
	[tilespmem:$0x10080] =	vst v63  }
0x89: {  	v58 =	vld [tilespmem:$0x20];
	_ =	sdelay $0x4  }
0x8a: {  	v0 =	vshll.u32 v58, $0x6  }
0x8b: {  	(v2sf) =	vpush v0, $0x0;
	_ =	sdelay $0x1  }
0x8c: {  	(v2sf) =	vpush v0, $0x1;
	_ =	sdelay $0x2  }
0x8d: {  	(v2sf) =	vpush v0, $0x2;
	_ =	sdelay $0x1  }
0x8e: {  	(v2sf) =	vpush v0, $0x3;
	_ =	sdelay $0x2  }
0x8f: {  	(v2sf) =	vpush v0, $0x4;
	_ =	sdelay $0x4  }
0x90: {  	s14 =	spop (v2sf);
	(v2sf) =	vpush v0, $0x5  }
0x91: {  	s13 =	sand.u32 $0x1FFFFFC0, s14  }
0x92: {  	s15 =	simm.s32 $0x4080;
	s14 =	spop (v2sf);
	(v2sf) =	vpush v0, $0x6;
	s13 =	sadd.s32 s3, s13  }
0x93: {  	[tilespmem:s15], [sflag:$0x1] =	stream.linear.gather [hbm4b:s13+s2], $0x180, $0x38;
	[tilespmem:$0x10080] =	vst v63  }
0x94: {  	s13 =	sand.u32 $0x1FFFFFC0, s14  }
0x95: {  	s15 =	simm.s32 $0x4280;
	s14 =	spop (v2sf);
	s13 =	sadd.s32 s3, s13  }
0x96: {  	[tilespmem:s15], [sflag:$0x1] =	stream.linear.gather [hbm4b:s13+s2], $0x180, $0x38;
	[tilespmem:$0x10080] =	vst v63  }
0x97: {  	s13 =	sand.u32 $0x1FFFFFC0, s14;
	s14 =	spop (v2sf);
	(v2sf) =	vpush v0, $0x7  }
0x98: {  	s15 =	simm.s32 $0x4480;
	s13 =	sadd.s32 s3, s13  }
0x99: {  	[tilespmem:s15], [sflag:$0x1] =	stream.linear.gather [hbm4b:s13+s2], $0x180, $0x38;
	[tilespmem:$0x10080] =	vst v63  }
0x9a: {  	s13 =	sand.u32 $0x1FFFFFC0, s14;
	s14 =	spop (v2sf);
	(v2sf) =	vpush v0, $0x8;
	_ =	sdelay $0x1  }
0x9b: {  	s15 =	simm.s32 $0x4680;
	s13 =	sadd.s32 s3, s13  }
0x9c: {  	[tilespmem:s15], [sflag:$0x1] =	stream.linear.gather [hbm4b:s13+s2], $0x180, $0x38;
	[tilespmem:$0x10080] =	vst v63  }
0x9d: {  	s13 =	sand.u32 $0x1FFFFFC0, s14  }
0x9e: {  	s15 =	simm.s32 $0x4880;
	s13 =	sadd.s32 s3, s13;
	s14 =	spop (v2sf);
	(v2sf) =	vpush v0, $0x9  }
0x9f: {  	[tilespmem:s15], [sflag:$0x1] =	stream.linear.gather [hbm4b:s13+s2], $0x180, $0x38;
	[tilespmem:$0x10080] =	vst v63  }
0xa0: {  	s13 =	sand.u32 $0x1FFFFFC0, s14;
	s14 =	spop (v2sf);
	(v2sf) =	vpush v0, $0xA;
	_ =	sdelay $0x2  }
0xa1: {  	s15 =	simm.s32 $0x4A80;
	s13 =	sadd.s32 s3, s13  }
0xa2: {  	[tilespmem:s15], [sflag:$0x1] =	stream.linear.gather [hbm4b:s13+s2], $0x180, $0x38;
	[tilespmem:$0x10080] =	vst v63  }
0xa3: {  	s13 =	sand.u32 $0x1FFFFFC0, s14;
	s14 =	spop (v2sf);
	(v2sf) =	vpush v0, $0xB  }
0xa4: {  	s15 =	simm.s32 $0x4C80;
	s13 =	sadd.s32 s3, s13  }
0xa5: {  	[tilespmem:s15], [sflag:$0x1] =	stream.linear.gather [hbm4b:s13+s2], $0x180, $0x38;
	[tilespmem:$0x10080] =	vst v63  }
0xa6: {  	s13 =	sand.u32 $0x1FFFFFC0, s14;
	s14 =	spop (v2sf);
	(v2sf) =	vpush v0, $0xC;
	_ =	sdelay $0x1  }
0xa7: {  	s15 =	simm.s32 $0x4E80;
	s13 =	sadd.s32 s3, s13  }
0xa8: {  	[tilespmem:s15], [sflag:$0x1] =	stream.linear.gather [hbm4b:s13+s2], $0x180, $0x38;
	[tilespmem:$0x10080] =	vst v63  }
0xa9: {  	s13 =	sand.u32 $0x1FFFFFC0, s14  }
0xaa: {  	s15 =	simm.s32 $0x5080;
	s13 =	sadd.s32 s3, s13;
	s14 =	spop (v2sf);
	(v2sf) =	vpush v0, $0xD  }
0xab: {  	[tilespmem:s15], [sflag:$0x1] =	stream.linear.gather [hbm4b:s13+s2], $0x180, $0x38;
	[tilespmem:$0x10080] =	vst v63  }
0xac: {  	s13 =	sand.u32 $0x1FFFFFC0, s14;
	s14 =	spop (v2sf);
	(v2sf) =	vpush v0, $0xE;
	_ =	sdelay $0x1  }
0xad: {  	s15 =	simm.s32 $0x5280;
	s13 =	sadd.s32 s3, s13  }
0xae: {  	[tilespmem:s15], [sflag:$0x1] =	stream.linear.gather [hbm4b:s13+s2], $0x180, $0x38;
	[tilespmem:$0x10080] =	vst v63  }
0xaf: {  	s13 =	sand.u32 $0x1FFFFFC0, s14  }
0xb0: {  	s15 =	simm.s32 $0x5480;
	s13 =	sadd.s32 s3, s13;
	s14 =	spop (v2sf);
	(v2sf) =	vpush v0, $0xF  }
0xb1: {  	[tilespmem:s15], [sflag:$0x1] =	stream.linear.gather [hbm4b:s13+s2], $0x180, $0x38;
	[tilespmem:$0x10080] =	vst v63  }
0xb2: {  	s13 =	sand.u32 $0x1FFFFFC0, s14  }
0xb3: {  	s15 =	simm.s32 $0x5680;
	s13 =	sadd.s32 s3, s13;
	s14 =	spop (v2sf)  }
0xb4: {  	[tilespmem:s15], [sflag:$0x1] =	stream.linear.gather [hbm4b:s13+s2], $0x180, $0x38;
	[tilespmem:$0x10080] =	vst v63  }
0xb5: {  	s13 =	sand.u32 $0x1FFFFFC0, s14  }
0xb6: {  	s15 =	simm.s32 $0x5880;
	s13 =	sadd.s32 s3, s13  }
0xb7: {  	[tilespmem:s15], [sflag:$0x1] =	stream.linear.gather [hbm4b:s13+s2], $0x180, $0x38;
	[tilespmem:$0x10080] =	vst v63  }
0xb8: {  	s14 =	spop (v2sf)  }
0xb9: {  	s13 =	sand.u32 $0x1FFFFFC0, s14  }
0xba: {  	s15 =	simm.s32 $0x5A80;
	s14 =	spop (v2sf);
	s13 =	sadd.s32 s3, s13  }
0xbb: {  	[tilespmem:s15], [sflag:$0x1] =	stream.linear.gather [hbm4b:s13+s2], $0x180, $0x38;
	[tilespmem:$0x10080] =	vst v63  }
0xbc: {  	s13 =	sand.u32 $0x1FFFFFC0, s14  }
0xbd: {  	s15 =	simm.s32 $0x5C80;
	s13 =	sadd.s32 s3, s13  }
0xbe: {  	[tilespmem:s15], [sflag:$0x1] =	stream.linear.gather [hbm4b:s13+s2], $0x180, $0x38;
	[tilespmem:$0x10080] =	vst v63  }
0xbf: {  	s14 =	spop (v2sf)  }
0xc0: {  	s13 =	sand.u32 $0x1FFFFFC0, s14  }
0xc1: {  	s15 =	simm.s32 $0x5E80;
	s13 =	sadd.s32 s3, s13  }
0xc2: {  	[tilespmem:s15], [sflag:$0x1] =	stream.linear.gather [hbm4b:s13+s2], $0x180, $0x38;
	[tilespmem:$0x10080] =	vst v63  }
0xc3: {  	v59 =	vld [tilespmem:$0x30];
	_ =	sdelay $0x4  }
0xc4: {  	v0 =	vshll.u32 v59, $0x6  }
0xc5: {  	(v2sf) =	vpush v0, $0x0;
	_ =	sdelay $0x1  }
0xc6: {  	(v2sf) =	vpush v0, $0x1;
	_ =	sdelay $0x2  }
0xc7: {  	(v2sf) =	vpush v0, $0x2;
	_ =	sdelay $0x1  }
0xc8: {  	(v2sf) =	vpush v0, $0x3;
	_ =	sdelay $0x2  }
0xc9: {  	(v2sf) =	vpush v0, $0x4;
	_ =	sdelay $0x4  }
0xca: {  	s14 =	spop (v2sf);
	(v2sf) =	vpush v0, $0x5  }
0xcb: {  	s13 =	sand.u32 $0x1FFFFFC0, s14  }
0xcc: {  	s15 =	simm.s32 $0x6080;
	s14 =	spop (v2sf);
	(v2sf) =	vpush v0, $0x6;
	s13 =	sadd.s32 s3, s13  }
0xcd: {  	[tilespmem:s15], [sflag:$0x1] =	stream.linear.gather [hbm4b:s13+s2], $0x180, $0x38;
	[tilespmem:$0x10080] =	vst v63  }
0xce: {  	s13 =	sand.u32 $0x1FFFFFC0, s14  }
0xcf: {  	s15 =	simm.s32 $0x6280;
	s14 =	spop (v2sf);
	s13 =	sadd.s32 s3, s13  }
0xd0: {  	[tilespmem:s15], [sflag:$0x1] =	stream.linear.gather [hbm4b:s13+s2], $0x180, $0x38;
	[tilespmem:$0x10080] =	vst v63  }
0xd1: {  	s13 =	sand.u32 $0x1FFFFFC0, s14;
	s14 =	spop (v2sf);
	(v2sf) =	vpush v0, $0x7  }
0xd2: {  	s15 =	simm.s32 $0x6480;
	s13 =	sadd.s32 s3, s13  }
0xd3: {  	[tilespmem:s15], [sflag:$0x1] =	stream.linear.gather [hbm4b:s13+s2], $0x180, $0x38;
	[tilespmem:$0x10080] =	vst v63  }
0xd4: {  	s13 =	sand.u32 $0x1FFFFFC0, s14;
	s14 =	spop (v2sf);
	(v2sf) =	vpush v0, $0x8;
	_ =	sdelay $0x1  }
0xd5: {  	s15 =	simm.s32 $0x6680;
	s13 =	sadd.s32 s3, s13  }
0xd6: {  	[tilespmem:s15], [sflag:$0x1] =	stream.linear.gather [hbm4b:s13+s2], $0x180, $0x38;
	[tilespmem:$0x10080] =	vst v63  }
0xd7: {  	s13 =	sand.u32 $0x1FFFFFC0, s14  }
0xd8: {  	s15 =	simm.s32 $0x6880;
	s13 =	sadd.s32 s3, s13;
	s14 =	spop (v2sf);
	(v2sf) =	vpush v0, $0x9  }
0xd9: {  	[tilespmem:s15], [sflag:$0x1] =	stream.linear.gather [hbm4b:s13+s2], $0x180, $0x38;
	[tilespmem:$0x10080] =	vst v63  }
0xda: {  	s13 =	sand.u32 $0x1FFFFFC0, s14;
	s14 =	spop (v2sf);
	(v2sf) =	vpush v0, $0xA;
	_ =	sdelay $0x2  }
0xdb: {  	s15 =	simm.s32 $0x6A80;
	s13 =	sadd.s32 s3, s13  }
0xdc: {  	[tilespmem:s15], [sflag:$0x1] =	stream.linear.gather [hbm4b:s13+s2], $0x180, $0x38;
	[tilespmem:$0x10080] =	vst v63  }
0xdd: {  	s13 =	sand.u32 $0x1FFFFFC0, s14;
	s14 =	spop (v2sf);
	(v2sf) =	vpush v0, $0xB  }
0xde: {  	s15 =	simm.s32 $0x6C80;
	s13 =	sadd.s32 s3, s13  }
0xdf: {  	[tilespmem:s15], [sflag:$0x1] =	stream.linear.gather [hbm4b:s13+s2], $0x180, $0x38;
	[tilespmem:$0x10080] =	vst v63  }
0xe0: {  	s13 =	sand.u32 $0x1FFFFFC0, s14;
	s14 =	spop (v2sf);
	(v2sf) =	vpush v0, $0xC;
	_ =	sdelay $0x1  }
0xe1: {  	s15 =	simm.s32 $0x6E80;
	s13 =	sadd.s32 s3, s13  }
0xe2: {  	[tilespmem:s15], [sflag:$0x1] =	stream.linear.gather [hbm4b:s13+s2], $0x180, $0x38;
	[tilespmem:$0x10080] =	vst v63  }
0xe3: {  	s13 =	sand.u32 $0x1FFFFFC0, s14  }
0xe4: {  	s15 =	simm.s32 $0x7080;
	s13 =	sadd.s32 s3, s13;
	s14 =	spop (v2sf);
	(v2sf) =	vpush v0, $0xD  }
0xe5: {  	[tilespmem:s15], [sflag:$0x1] =	stream.linear.gather [hbm4b:s13+s2], $0x180, $0x38;
	[tilespmem:$0x10080] =	vst v63  }
0xe6: {  	s13 =	sand.u32 $0x1FFFFFC0, s14;
	s14 =	spop (v2sf);
	(v2sf) =	vpush v0, $0xE;
	_ =	sdelay $0x1  }
0xe7: {  	s15 =	simm.s32 $0x7280;
	s13 =	sadd.s32 s3, s13  }
0xe8: {  	[tilespmem:s15], [sflag:$0x1] =	stream.linear.gather [hbm4b:s13+s2], $0x180, $0x38;
	[tilespmem:$0x10080] =	vst v63  }
0xe9: {  	s13 =	sand.u32 $0x1FFFFFC0, s14  }
0xea: {  	s15 =	simm.s32 $0x7480;
	s13 =	sadd.s32 s3, s13;
	s14 =	spop (v2sf);
	(v2sf) =	vpush v0, $0xF  }
0xeb: {  	[tilespmem:s15], [sflag:$0x1] =	stream.linear.gather [hbm4b:s13+s2], $0x180, $0x38;
	[tilespmem:$0x10080] =	vst v63  }
0xec: {  	s13 =	sand.u32 $0x1FFFFFC0, s14  }
0xed: {  	s15 =	simm.s32 $0x7680;
	s13 =	sadd.s32 s3, s13;
	s14 =	spop (v2sf)  }
0xee: {  	[tilespmem:s15], [sflag:$0x1] =	stream.linear.gather [hbm4b:s13+s2], $0x180, $0x38;
	[tilespmem:$0x10080] =	vst v63  }
0xef: {  	s13 =	sand.u32 $0x1FFFFFC0, s14  }
0xf0: {  	s15 =	simm.s32 $0x7880;
	s13 =	sadd.s32 s3, s13  }
0xf1: {  	[tilespmem:s15], [sflag:$0x1] =	stream.linear.gather [hbm4b:s13+s2], $0x180, $0x38;
	[tilespmem:$0x10080] =	vst v63  }
0xf2: {  	s14 =	spop (v2sf)  }
0xf3: {  	s13 =	sand.u32 $0x1FFFFFC0, s14  }
0xf4: {  	s15 =	simm.s32 $0x7A80;
	s14 =	spop (v2sf);
	s13 =	sadd.s32 s3, s13  }
0xf5: {  	[tilespmem:s15], [sflag:$0x1] =	stream.linear.gather [hbm4b:s13+s2], $0x180, $0x38;
	[tilespmem:$0x10080] =	vst v63  }
0xf6: {  	s13 =	sand.u32 $0x1FFFFFC0, s14  }
0xf7: {  	s15 =	simm.s32 $0x7C80;
	s13 =	sadd.s32 s3, s13  }
0xf8: {  	[tilespmem:s15], [sflag:$0x1] =	stream.linear.gather [hbm4b:s13+s2], $0x180, $0x38;
	[tilespmem:$0x10080] =	vst v63  }
0xf9: {  	s14 =	spop (v2sf)  }
0xfa: {  	s13 =	sand.u32 $0x1FFFFFC0, s14  }
0xfb: {  	s15 =	simm.s32 $0x7E80;
	s13 =	sadd.s32 s3, s13  }
0xfc: {  	[tilespmem:s15], [sflag:$0x1] =	stream.linear.gather [hbm4b:s13+s2], $0x180, $0x38;
	[tilespmem:$0x10080] =	vst v63  }
0xfd: {  	v60 =	vld [tilespmem:$0x40];
	_ =	sdelay $0x4  }
0xfe: {  	v0 =	vshll.u32 v60, $0x6  }
0xff: {  	(v2sf) =	vpush v0, $0x0;
	_ =	sdelay $0x1  }
0x100: {  	(v2sf) =	vpush v0, $0x1;
	_ =	sdelay $0x2  }
0x101: {  	(v2sf) =	vpush v0, $0x2;
	_ =	sdelay $0x1  }
0x102: {  	(v2sf) =	vpush v0, $0x3;
	_ =	sdelay $0x2  }
0x103: {  	(v2sf) =	vpush v0, $0x4;
	_ =	sdelay $0x4  }
0x104: {  	s14 =	spop (v2sf);
	(v2sf) =	vpush v0, $0x5  }
0x105: {  	s13 =	sand.u32 $0x1FFFFFC0, s14  }
0x106: {  	s15 =	simm.s32 $0x8080;
	s14 =	spop (v2sf);
	(v2sf) =	vpush v0, $0x6;
	s13 =	sadd.s32 s3, s13  }
0x107: {  	[tilespmem:s15], [sflag:$0x1] =	stream.linear.gather [hbm4b:s13+s2], $0x180, $0x38;
	[tilespmem:$0x10080] =	vst v63  }
0x108: {  	s13 =	sand.u32 $0x1FFFFFC0, s14  }
0x109: {  	s15 =	simm.s32 $0x8280;
	s14 =	spop (v2sf);
	s13 =	sadd.s32 s3, s13  }
0x10a: {  	[tilespmem:s15], [sflag:$0x1] =	stream.linear.gather [hbm4b:s13+s2], $0x180, $0x38;
	[tilespmem:$0x10080] =	vst v63  }
0x10b: {  	s13 =	sand.u32 $0x1FFFFFC0, s14;
	s14 =	spop (v2sf);
	(v2sf) =	vpush v0, $0x7  }
0x10c: {  	s15 =	simm.s32 $0x8480;
	s13 =	sadd.s32 s3, s13  }
0x10d: {  	[tilespmem:s15], [sflag:$0x1] =	stream.linear.gather [hbm4b:s13+s2], $0x180, $0x38;
	[tilespmem:$0x10080] =	vst v63  }
0x10e: {  	s13 =	sand.u32 $0x1FFFFFC0, s14;
	s14 =	spop (v2sf);
	(v2sf) =	vpush v0, $0x8;
	_ =	sdelay $0x1  }
0x10f: {  	s15 =	simm.s32 $0x8680;
	s13 =	sadd.s32 s3, s13  }
0x110: {  	[tilespmem:s15], [sflag:$0x1] =	stream.linear.gather [hbm4b:s13+s2], $0x180, $0x38;
	[tilespmem:$0x10080] =	vst v63  }
0x111: {  	s13 =	sand.u32 $0x1FFFFFC0, s14  }
0x112: {  	s15 =	simm.s32 $0x8880;
	s13 =	sadd.s32 s3, s13;
	s14 =	spop (v2sf);
	(v2sf) =	vpush v0, $0x9  }
0x113: {  	[tilespmem:s15], [sflag:$0x1] =	stream.linear.gather [hbm4b:s13+s2], $0x180, $0x38;
	[tilespmem:$0x10080] =	vst v63  }
0x114: {  	s13 =	sand.u32 $0x1FFFFFC0, s14;
	s14 =	spop (v2sf);
	(v2sf) =	vpush v0, $0xA;
	_ =	sdelay $0x2  }
0x115: {  	s15 =	simm.s32 $0x8A80;
	s13 =	sadd.s32 s3, s13  }
0x116: {  	[tilespmem:s15], [sflag:$0x1] =	stream.linear.gather [hbm4b:s13+s2], $0x180, $0x38;
	[tilespmem:$0x10080] =	vst v63  }
0x117: {  	s13 =	sand.u32 $0x1FFFFFC0, s14;
	s14 =	spop (v2sf);
	(v2sf) =	vpush v0, $0xB  }
0x118: {  	s15 =	simm.s32 $0x8C80;
	s13 =	sadd.s32 s3, s13  }
0x119: {  	[tilespmem:s15], [sflag:$0x1] =	stream.linear.gather [hbm4b:s13+s2], $0x180, $0x38;
	[tilespmem:$0x10080] =	vst v63  }
0x11a: {  	s13 =	sand.u32 $0x1FFFFFC0, s14;
	s14 =	spop (v2sf);
	(v2sf) =	vpush v0, $0xC;
	_ =	sdelay $0x1  }
0x11b: {  	s15 =	simm.s32 $0x8E80;
	s13 =	sadd.s32 s3, s13  }
0x11c: {  	[tilespmem:s15], [sflag:$0x1] =	stream.linear.gather [hbm4b:s13+s2], $0x180, $0x38;
	[tilespmem:$0x10080] =	vst v63  }
0x11d: {  	s13 =	sand.u32 $0x1FFFFFC0, s14  }
0x11e: {  	s15 =	simm.s32 $0x9080;
	s13 =	sadd.s32 s3, s13;
	s14 =	spop (v2sf);
	(v2sf) =	vpush v0, $0xD  }
0x11f: {  	[tilespmem:s15], [sflag:$0x1] =	stream.linear.gather [hbm4b:s13+s2], $0x180, $0x38;
	[tilespmem:$0x10080] =	vst v63  }
0x120: {  	s13 =	sand.u32 $0x1FFFFFC0, s14;
	s14 =	spop (v2sf);
	(v2sf) =	vpush v0, $0xE;
	_ =	sdelay $0x1  }
0x121: {  	s15 =	simm.s32 $0x9280;
	s13 =	sadd.s32 s3, s13  }
0x122: {  	[tilespmem:s15], [sflag:$0x1] =	stream.linear.gather [hbm4b:s13+s2], $0x180, $0x38;
	[tilespmem:$0x10080] =	vst v63  }
0x123: {  	s13 =	sand.u32 $0x1FFFFFC0, s14  }
0x124: {  	s15 =	simm.s32 $0x9480;
	s13 =	sadd.s32 s3, s13;
	s14 =	spop (v2sf);
	(v2sf) =	vpush v0, $0xF  }
0x125: {  	[tilespmem:s15], [sflag:$0x1] =	stream.linear.gather [hbm4b:s13+s2], $0x180, $0x38;
	[tilespmem:$0x10080] =	vst v63  }
0x126: {  	s13 =	sand.u32 $0x1FFFFFC0, s14  }
0x127: {  	s15 =	simm.s32 $0x9680;
	s13 =	sadd.s32 s3, s13;
	s14 =	spop (v2sf)  }
0x128: {  	[tilespmem:s15], [sflag:$0x1] =	stream.linear.gather [hbm4b:s13+s2], $0x180, $0x38;
	[tilespmem:$0x10080] =	vst v63  }
0x129: {  	s13 =	sand.u32 $0x1FFFFFC0, s14  }
0x12a: {  	s15 =	simm.s32 $0x9880;
	s13 =	sadd.s32 s3, s13  }
0x12b: {  	[tilespmem:s15], [sflag:$0x1] =	stream.linear.gather [hbm4b:s13+s2], $0x180, $0x38;
	[tilespmem:$0x10080] =	vst v63  }
0x12c: {  	s14 =	spop (v2sf)  }
0x12d: {  	s13 =	sand.u32 $0x1FFFFFC0, s14  }
0x12e: {  	s15 =	simm.s32 $0x9A80;
	s14 =	spop (v2sf);
	s13 =	sadd.s32 s3, s13  }
0x12f: {  	[tilespmem:s15], [sflag:$0x1] =	stream.linear.gather [hbm4b:s13+s2], $0x180, $0x38;
	[tilespmem:$0x10080] =	vst v63  }
0x130: {  	s13 =	sand.u32 $0x1FFFFFC0, s14  }
0x131: {  	s15 =	simm.s32 $0x9C80;
	s13 =	sadd.s32 s3, s13  }
0x132: {  	[tilespmem:s15], [sflag:$0x1] =	stream.linear.gather [hbm4b:s13+s2], $0x180, $0x38;
	[tilespmem:$0x10080] =	vst v63  }
0x133: {  	s14 =	spop (v2sf)  }
0x134: {  	s13 =	sand.u32 $0x1FFFFFC0, s14  }
0x135: {  	s15 =	simm.s32 $0x9E80;
	s13 =	sadd.s32 s3, s13  }
0x136: {  	[tilespmem:s15], [sflag:$0x1] =	stream.linear.gather [hbm4b:s13+s2], $0x180, $0x38;
	[tilespmem:$0x10080] =	vst v63  }
0x137: {  	v61 =	vld [tilespmem:$0x50];
	_ =	sdelay $0x4  }
0x138: {  	v0 =	vshll.u32 v61, $0x6  }
0x139: {  	(v2sf) =	vpush v0, $0x0;
	_ =	sdelay $0x1  }
0x13a: {  	(v2sf) =	vpush v0, $0x1;
	_ =	sdelay $0x2  }
0x13b: {  	(v2sf) =	vpush v0, $0x2;
	_ =	sdelay $0x1  }
0x13c: {  	(v2sf) =	vpush v0, $0x3;
	_ =	sdelay $0x2  }
0x13d: {  	(v2sf) =	vpush v0, $0x4;
	_ =	sdelay $0x4  }
0x13e: {  	s14 =	spop (v2sf);
	(v2sf) =	vpush v0, $0x5  }
0x13f: {  	s13 =	sand.u32 $0x1FFFFFC0, s14  }
0x140: {  	s15 =	simm.s32 $0xA080;
	s14 =	spop (v2sf);
	(v2sf) =	vpush v0, $0x6;
	s13 =	sadd.s32 s3, s13  }
0x141: {  	[tilespmem:s15], [sflag:$0x1] =	stream.linear.gather [hbm4b:s13+s2], $0x180, $0x38;
	[tilespmem:$0x10080] =	vst v63  }
0x142: {  	s13 =	sand.u32 $0x1FFFFFC0, s14  }
0x143: {  	s15 =	simm.s32 $0xA280;
	s14 =	spop (v2sf);
	s13 =	sadd.s32 s3, s13  }
0x144: {  	[tilespmem:s15], [sflag:$0x1] =	stream.linear.gather [hbm4b:s13+s2], $0x180, $0x38;
	[tilespmem:$0x10080] =	vst v63  }
0x145: {  	s13 =	sand.u32 $0x1FFFFFC0, s14;
	s14 =	spop (v2sf);
	(v2sf) =	vpush v0, $0x7  }
0x146: {  	s15 =	simm.s32 $0xA480;
	s13 =	sadd.s32 s3, s13  }
0x147: {  	[tilespmem:s15], [sflag:$0x1] =	stream.linear.gather [hbm4b:s13+s2], $0x180, $0x38;
	[tilespmem:$0x10080] =	vst v63  }
0x148: {  	s13 =	sand.u32 $0x1FFFFFC0, s14;
	s14 =	spop (v2sf);
	(v2sf) =	vpush v0, $0x8;
	_ =	sdelay $0x1  }
0x149: {  	s15 =	simm.s32 $0xA680;
	s13 =	sadd.s32 s3, s13  }
0x14a: {  	[tilespmem:s15], [sflag:$0x1] =	stream.linear.gather [hbm4b:s13+s2], $0x180, $0x38;
	[tilespmem:$0x10080] =	vst v63  }
0x14b: {  	s13 =	sand.u32 $0x1FFFFFC0, s14  }
0x14c: {  	s15 =	simm.s32 $0xA880;
	s13 =	sadd.s32 s3, s13;
	s14 =	spop (v2sf);
	(v2sf) =	vpush v0, $0x9  }
0x14d: {  	[tilespmem:s15], [sflag:$0x1] =	stream.linear.gather [hbm4b:s13+s2], $0x180, $0x38;
	[tilespmem:$0x10080] =	vst v63  }
0x14e: {  	s13 =	sand.u32 $0x1FFFFFC0, s14;
	s14 =	spop (v2sf);
	(v2sf) =	vpush v0, $0xA;
	_ =	sdelay $0x2  }
0x14f: {  	s15 =	simm.s32 $0xAA80;
	s13 =	sadd.s32 s3, s13  }
0x150: {  	[tilespmem:s15], [sflag:$0x1] =	stream.linear.gather [hbm4b:s13+s2], $0x180, $0x38;
	[tilespmem:$0x10080] =	vst v63  }
0x151: {  	s13 =	sand.u32 $0x1FFFFFC0, s14;
	s14 =	spop (v2sf);
	(v2sf) =	vpush v0, $0xB  }
0x152: {  	s15 =	simm.s32 $0xAC80;
	s13 =	sadd.s32 s3, s13  }
0x153: {  	[tilespmem:s15], [sflag:$0x1] =	stream.linear.gather [hbm4b:s13+s2], $0x180, $0x38;
	[tilespmem:$0x10080] =	vst v63  }
0x154: {  	s13 =	sand.u32 $0x1FFFFFC0, s14;
	s14 =	spop (v2sf);
	(v2sf) =	vpush v0, $0xC;
	_ =	sdelay $0x1  }
0x155: {  	s15 =	simm.s32 $0xAE80;
	s13 =	sadd.s32 s3, s13  }
0x156: {  	[tilespmem:s15], [sflag:$0x1] =	stream.linear.gather [hbm4b:s13+s2], $0x180, $0x38;
	[tilespmem:$0x10080] =	vst v63  }
0x157: {  	s13 =	sand.u32 $0x1FFFFFC0, s14  }
0x158: {  	s15 =	simm.s32 $0xB080;
	s13 =	sadd.s32 s3, s13;
	s14 =	spop (v2sf);
	(v2sf) =	vpush v0, $0xD  }
0x159: {  	[tilespmem:s15], [sflag:$0x1] =	stream.linear.gather [hbm4b:s13+s2], $0x180, $0x38;
	[tilespmem:$0x10080] =	vst v63  }
0x15a: {  	s13 =	sand.u32 $0x1FFFFFC0, s14;
	s14 =	spop (v2sf);
	(v2sf) =	vpush v0, $0xE;
	_ =	sdelay $0x1  }
0x15b: {  	s15 =	simm.s32 $0xB280;
	s13 =	sadd.s32 s3, s13  }
0x15c: {  	[tilespmem:s15], [sflag:$0x1] =	stream.linear.gather [hbm4b:s13+s2], $0x180, $0x38;
	[tilespmem:$0x10080] =	vst v63  }
0x15d: {  	s13 =	sand.u32 $0x1FFFFFC0, s14  }
0x15e: {  	s15 =	simm.s32 $0xB480;
	s13 =	sadd.s32 s3, s13;
	s14 =	spop (v2sf);
	(v2sf) =	vpush v0, $0xF  }
0x15f: {  	[tilespmem:s15], [sflag:$0x1] =	stream.linear.gather [hbm4b:s13+s2], $0x180, $0x38;
	[tilespmem:$0x10080] =	vst v63  }
0x160: {  	s13 =	sand.u32 $0x1FFFFFC0, s14  }
0x161: {  	s15 =	simm.s32 $0xB680;
	s13 =	sadd.s32 s3, s13;
	s14 =	spop (v2sf)  }
0x162: {  	[tilespmem:s15], [sflag:$0x1] =	stream.linear.gather [hbm4b:s13+s2], $0x180, $0x38;
	[tilespmem:$0x10080] =	vst v63  }
0x163: {  	s13 =	sand.u32 $0x1FFFFFC0, s14  }
0x164: {  	s15 =	simm.s32 $0xB880;
	s13 =	sadd.s32 s3, s13  }
0x165: {  	[tilespmem:s15], [sflag:$0x1] =	stream.linear.gather [hbm4b:s13+s2], $0x180, $0x38;
	[tilespmem:$0x10080] =	vst v63  }
0x166: {  	s14 =	spop (v2sf)  }
0x167: {  	s13 =	sand.u32 $0x1FFFFFC0, s14  }
0x168: {  	s15 =	simm.s32 $0xBA80;
	s14 =	spop (v2sf);
	s13 =	sadd.s32 s3, s13  }
0x169: {  	[tilespmem:s15], [sflag:$0x1] =	stream.linear.gather [hbm4b:s13+s2], $0x180, $0x38;
	[tilespmem:$0x10080] =	vst v63  }
0x16a: {  	s13 =	sand.u32 $0x1FFFFFC0, s14  }
0x16b: {  	s15 =	simm.s32 $0xBC80;
	s13 =	sadd.s32 s3, s13  }
0x16c: {  	[tilespmem:s15], [sflag:$0x1] =	stream.linear.gather [hbm4b:s13+s2], $0x180, $0x38;
	[tilespmem:$0x10080] =	vst v63  }
0x16d: {  	s14 =	spop (v2sf)  }
0x16e: {  	s13 =	sand.u32 $0x1FFFFFC0, s14  }
0x16f: {  	s15 =	simm.s32 $0xBE80;
	s13 =	sadd.s32 s3, s13  }
0x170: {  	[tilespmem:s15], [sflag:$0x1] =	stream.linear.gather [hbm4b:s13+s2], $0x180, $0x38;
	[tilespmem:$0x10080] =	vst v63  }
0x171: {  	v62 =	vld [tilespmem:$0x60];
	_ =	sdelay $0x4  }
0x172: {  	v0 =	vshll.u32 v62, $0x6  }
0x173: {  	(v2sf) =	vpush v0, $0x0;
	_ =	sdelay $0x1  }
0x174: {  	(v2sf) =	vpush v0, $0x1;
	_ =	sdelay $0x2  }
0x175: {  	(v2sf) =	vpush v0, $0x2;
	_ =	sdelay $0x1  }
0x176: {  	(v2sf) =	vpush v0, $0x3;
	_ =	sdelay $0x2  }
0x177: {  	(v2sf) =	vpush v0, $0x4;
	_ =	sdelay $0x4  }
0x178: {  	s14 =	spop (v2sf);
	(v2sf) =	vpush v0, $0x5  }
0x179: {  	s13 =	sand.u32 $0x1FFFFFC0, s14  }
0x17a: {  	s15 =	simm.s32 $0xC080;
	s14 =	spop (v2sf);
	(v2sf) =	vpush v0, $0x6;
	s13 =	sadd.s32 s3, s13  }
0x17b: {  	[tilespmem:s15], [sflag:$0x1] =	stream.linear.gather [hbm4b:s13+s2], $0x180, $0x38;
	[tilespmem:$0x10080] =	vst v63  }
0x17c: {  	s13 =	sand.u32 $0x1FFFFFC0, s14  }
0x17d: {  	s15 =	simm.s32 $0xC280;
	s14 =	spop (v2sf);
	s13 =	sadd.s32 s3, s13  }
0x17e: {  	[tilespmem:s15], [sflag:$0x1] =	stream.linear.gather [hbm4b:s13+s2], $0x180, $0x38;
	[tilespmem:$0x10080] =	vst v63  }
0x17f: {  	s13 =	sand.u32 $0x1FFFFFC0, s14;
	s14 =	spop (v2sf);
	(v2sf) =	vpush v0, $0x7  }
0x180: {  	s15 =	simm.s32 $0xC480;
	s13 =	sadd.s32 s3, s13  }
0x181: {  	[tilespmem:s15], [sflag:$0x1] =	stream.linear.gather [hbm4b:s13+s2], $0x180, $0x38;
	[tilespmem:$0x10080] =	vst v63  }
0x182: {  	s13 =	sand.u32 $0x1FFFFFC0, s14;
	s14 =	spop (v2sf);
	(v2sf) =	vpush v0, $0x8;
	_ =	sdelay $0x1  }
0x183: {  	s15 =	simm.s32 $0xC680;
	s13 =	sadd.s32 s3, s13  }
0x184: {  	[tilespmem:s15], [sflag:$0x1] =	stream.linear.gather [hbm4b:s13+s2], $0x180, $0x38;
	[tilespmem:$0x10080] =	vst v63  }
0x185: {  	s13 =	sand.u32 $0x1FFFFFC0, s14  }
0x186: {  	s15 =	simm.s32 $0xC880;
	s13 =	sadd.s32 s3, s13;
	s14 =	spop (v2sf);
	(v2sf) =	vpush v0, $0x9  }
0x187: {  	[tilespmem:s15], [sflag:$0x1] =	stream.linear.gather [hbm4b:s13+s2], $0x180, $0x38;
	[tilespmem:$0x10080] =	vst v63  }
0x188: {  	s13 =	sand.u32 $0x1FFFFFC0, s14;
	s14 =	spop (v2sf);
	(v2sf) =	vpush v0, $0xA;
	_ =	sdelay $0x2  }
0x189: {  	s15 =	simm.s32 $0xCA80;
	s13 =	sadd.s32 s3, s13  }
0x18a: {  	[tilespmem:s15], [sflag:$0x1] =	stream.linear.gather [hbm4b:s13+s2], $0x180, $0x38;
	[tilespmem:$0x10080] =	vst v63  }
0x18b: {  	s13 =	sand.u32 $0x1FFFFFC0, s14;
	s14 =	spop (v2sf);
	(v2sf) =	vpush v0, $0xB  }
0x18c: {  	s15 =	simm.s32 $0xCC80;
	s13 =	sadd.s32 s3, s13  }
0x18d: {  	[tilespmem:s15], [sflag:$0x1] =	stream.linear.gather [hbm4b:s13+s2], $0x180, $0x38;
	[tilespmem:$0x10080] =	vst v63  }
0x18e: {  	s13 =	sand.u32 $0x1FFFFFC0, s14;
	s14 =	spop (v2sf);
	(v2sf) =	vpush v0, $0xC;
	_ =	sdelay $0x1  }
0x18f: {  	s15 =	simm.s32 $0xCE80;
	s13 =	sadd.s32 s3, s13  }
0x190: {  	[tilespmem:s15], [sflag:$0x1] =	stream.linear.gather [hbm4b:s13+s2], $0x180, $0x38;
	[tilespmem:$0x10080] =	vst v63  }
0x191: {  	s13 =	sand.u32 $0x1FFFFFC0, s14  }
0x192: {  	s15 =	simm.s32 $0xD080;
	s13 =	sadd.s32 s3, s13;
	s14 =	spop (v2sf);
	(v2sf) =	vpush v0, $0xD  }
0x193: {  	[tilespmem:s15], [sflag:$0x1] =	stream.linear.gather [hbm4b:s13+s2], $0x180, $0x38;
	[tilespmem:$0x10080] =	vst v63  }
0x194: {  	s13 =	sand.u32 $0x1FFFFFC0, s14;
	s14 =	spop (v2sf);
	(v2sf) =	vpush v0, $0xE;
	_ =	sdelay $0x1  }
0x195: {  	s15 =	simm.s32 $0xD280;
	s13 =	sadd.s32 s3, s13  }
0x196: {  	[tilespmem:s15], [sflag:$0x1] =	stream.linear.gather [hbm4b:s13+s2], $0x180, $0x38;
	[tilespmem:$0x10080] =	vst v63  }
0x197: {  	s13 =	sand.u32 $0x1FFFFFC0, s14  }
0x198: {  	s15 =	simm.s32 $0xD480;
	s13 =	sadd.s32 s3, s13;
	s14 =	spop (v2sf);
	(v2sf) =	vpush v0, $0xF  }
0x199: {  	[tilespmem:s15], [sflag:$0x1] =	stream.linear.gather [hbm4b:s13+s2], $0x180, $0x38;
	[tilespmem:$0x10080] =	vst v63  }
0x19a: {  	s13 =	sand.u32 $0x1FFFFFC0, s14  }
0x19b: {  	s15 =	simm.s32 $0xD680;
	s13 =	sadd.s32 s3, s13;
	s14 =	spop (v2sf)  }
0x19c: {  	[tilespmem:s15], [sflag:$0x1] =	stream.linear.gather [hbm4b:s13+s2], $0x180, $0x38;
	[tilespmem:$0x10080] =	vst v63  }
0x19d: {  	s13 =	sand.u32 $0x1FFFFFC0, s14  }
0x19e: {  	s15 =	simm.s32 $0xD880;
	s13 =	sadd.s32 s3, s13  }
0x19f: {  	[tilespmem:s15], [sflag:$0x1] =	stream.linear.gather [hbm4b:s13+s2], $0x180, $0x38;
	[tilespmem:$0x10080] =	vst v63  }
0x1a0: {  	s15 =	spop (v2sf)  }
0x1a1: {  	s13 =	sand.u32 $0x1FFFFFC0, s15  }
0x1a2: {  	s14 =	spop (v2sf);
	s13 =	sadd.s32 s3, s13  }
0x1a3: {  	[tilespmem:s16], [sflag:$0x1] =	stream.linear.gather [hbm4b:s13+s2], $0x180, $0x38;
	[tilespmem:$0x10080] =	vst v63  }
0x1a4: {  	s13 =	sand.u32 $0x1FFFFFC0, s14  }
0x1a5: {  	s13 =	sadd.s32 s3, s13  }
0x1a6: {  	[tilespmem:s17], [sflag:$0x1] =	stream.linear.gather [hbm4b:s13+s2], $0x180, $0x38;
	[tilespmem:$0x10080] =	vst v63  }
0x1a7: {  	s15 =	spop (v2sf)  }
0x1a8: {  	s13 =	sand.u32 $0x1FFFFFC0, s15  }
0x1a9: {  	s13 =	sadd.s32 s3, s13  }
0x1aa: {  	[tilespmem:s18], [sflag:$0x1] =	stream.linear.gather [hbm4b:s13+s2], $0x180, $0x38;
	[tilespmem:$0x10080] =	vst v63  }
0x1ab: {  	v63 =	vld [tilespmem:$0x70];
	_ =	sdelay $0x4  }
0x1ac: {  	v0 =	vshll.u32 v63, $0x6  }
0x1ad: {  	(v2sf) =	vpush v0, $0x0;
	_ =	sdelay $0x2  }
0x1ae: {  	(v2sf) =	vpush v0, $0x1  }
0x1af: {  	(v2sf) =	vpush v0, $0x2;
	_ =	sdelay $0x2  }
0x1b0: {  	(v2sf) =	vpush v0, $0x3;
	_ =	sdelay $0x1  }
0x1b1: {  	(v2sf) =	vpush v0, $0x4;
	_ =	sdelay $0x5  }
0x1b2: {  	s14 =	spop (v2sf);
	(v2sf) =	vpush v0, $0x5;
	_ =	sdelay $0x2  }
0x1b3: {  	s13 =	sand.u32 $0x1FFFFFC0, s14;
	s15 =	spop (v2sf)  }
0x1b4: {  	s13 =	sadd.s32 s3, s13;
	s14 =	spop (v2sf)  }
0x1b5: {  	(v2sf) =	vpush v0, $0x6;
	[tilespmem:s19], [sflag:$0x1] =	stream.linear.gather [hbm4b:s13+s2], $0x180, $0x38;
	[tilespmem:$0x10080] =	vst v63  }
0x1b6: {  	s13 =	sand.u32 $0x1FFFFFC0, s15  }
0x1b7: {  	s15 =	spop (v2sf);
	(v2sf) =	vpush v0, $0x7;
	s13 =	sadd.s32 s3, s13  }
0x1b8: {  	[tilespmem:s20], [sflag:$0x1] =	stream.linear.gather [hbm4b:s13+s2], $0x180, $0x38;
	[tilespmem:$0x10080] =	vst v63  }
0x1b9: {  	s13 =	sand.u32 $0x1FFFFFC0, s14;
	s14 =	spop (v2sf);
	(v2sf) =	vpush v0, $0x8  }
0x1ba: {  	s13 =	sadd.s32 s3, s13  }
0x1bb: {  	[tilespmem:s21], [sflag:$0x1] =	stream.linear.gather [hbm4b:s13+s2], $0x180, $0x38;
	[tilespmem:$0x10080] =	vst v63  }
0x1bc: {  	s13 =	sand.u32 $0x1FFFFFC0, s15  }
0x1bd: {  	s13 =	sadd.s32 s3, s13  }
0x1be: {  	[tilespmem:s22], [sflag:$0x1] =	stream.linear.gather [hbm4b:s13+s2], $0x180, $0x38;
	[tilespmem:$0x10080] =	vst v63  }
0x1bf: {  	s15 =	spop (v2sf);
	(v2sf) =	vpush v0, $0x9  }
0x1c0: {  	s13 =	sand.u32 $0x1FFFFFC0, s14  }
0x1c1: {  	s13 =	sadd.s32 s3, s13;
	(v2sf) =	vpush v0, $0xA  }
0x1c2: {  	[tilespmem:s23], [sflag:$0x1] =	stream.linear.gather [hbm4b:s13+s2], $0x180, $0x38;
	[tilespmem:$0x10080] =	vst v63  }
0x1c3: {  	s13 =	sand.u32 $0x1FFFFFC0, s15  }
0x1c4: {  	s13 =	sadd.s32 s3, s13;
	s14 =	spop (v2sf)  }
0x1c5: {  	(v2sf) =	vpush v0, $0xB;
	[tilespmem:s24], [sflag:$0x1] =	stream.linear.gather [hbm4b:s13+s2], $0x180, $0x38;
	[tilespmem:$0x10080] =	vst v63  }
0x1c6: {  	s15 =	spop (v2sf);
	(v2sf) =	vpush v0, $0xC  }
0x1c7: {  	s13 =	sand.u32 $0x1FFFFFC0, s14  }
0x1c8: {  	s13 =	sadd.s32 s3, s13;
	s14 =	spop (v2sf);
	(v2sf) =	vpush v0, $0xD  }
0x1c9: {  	[tilespmem:s25], [sflag:$0x1] =	stream.linear.gather [hbm4b:s13+s2], $0x180, $0x38;
	[tilespmem:$0x10080] =	vst v63  }
0x1ca: {  	s13 =	sand.u32 $0x1FFFFFC0, s15  }
0x1cb: {  	s13 =	sadd.s32 s3, s13  }
0x1cc: {  	[tilespmem:s26], [sflag:$0x1] =	stream.linear.gather [hbm4b:s13+s2], $0x180, $0x38;
	[tilespmem:$0x10080] =	vst v63  }
0x1cd: {  	s13 =	sand.u32 $0x1FFFFFC0, s14  }
0x1ce: {  	s13 =	sadd.s32 s3, s13;
	s15 =	spop (v2sf);
	(v2sf) =	vpush v0, $0xE  }
0x1cf: {  	[tilespmem:s28], [sflag:$0x1] =	stream.linear.gather [hbm4b:s13+s2], $0x180, $0x38;
	[tilespmem:$0x10080] =	vst v63  }
0x1d0: {  	s14 =	spop (v2sf);
	(v2sf) =	vpush v0, $0xF  }
0x1d1: {  	s13 =	sand.u32 $0x1FFFFFC0, s15  }
0x1d2: {  	s13 =	sadd.s32 s3, s13  }
0x1d3: {  	[tilespmem:s29], [sflag:$0x1] =	stream.linear.gather [hbm4b:s13+s2], $0x180, $0x38;
	[tilespmem:$0x10080] =	vst v63  }
0x1d4: {  	s15 =	spop (v2sf);
	s13 =	sand.u32 $0x1FFFFFC0, s14  }
0x1d5: {  	s14 =	sand.u32 $0x1FFFFFC0, s15;
	s15 =	spop (v2sf);
	s13 =	sadd.s32 s3, s13  }
0x1d6: {  	[tilespmem:s30], [sflag:$0x1] =	stream.linear.gather [hbm4b:s13+s2], $0x180, $0x38;
	[tilespmem:$0x10080] =	vst v63  }
0x1d7: {  	s13 =	sadd.s32 s3, s14;
	s14 =	sand.u32 $0x1FFFFFC0, s15;
	s15 =	spop (v2sf)  }
0x1d8: {  	[tilespmem:s31], [sflag:$0x1] =	stream.linear.gather [hbm4b:s13+s2], $0x180, $0x38;
	[tilespmem:$0x10080] =	vst v63  }
0x1d9: {  	s13 =	sadd.s32 s3, s14;
	s14 =	sand.u32 $0x1FFFFFC0, s15  }
0x1da: {  	[tilespmem:s0], [sflag:$0x1] =	stream.linear.gather [hbm4b:s13+s2], $0x180, $0x38;
	[tilespmem:$0x10080] =	vst v63  }
0x1db: {  	s13 =	sadd.s32 s3, s14  }
0x1dc: {  	[tilespmem:s1], [sflag:$0x1] =	stream.linear.gather [hbm4b:s13+s2], $0x180, $0x38;
	[tilespmem:$0x10080] =	vst v63  }
0x1dd: {  	s15 =	spop (v2sf)  }
0x1de: {  	s14 =	sand.u32 $0x1FFFFFC0, s15  }
0x1df: {  	s15 =	spop (v2sf);
	s13 =	sadd.s32 s3, s14  }
0x1e0: {  	[tilespmem:s8], [sflag:$0x1] =	stream.linear.gather [hbm4b:s13+s2], $0x180, $0x38;
	[tilespmem:$0x10080] =	vst v63  }
0x1e1: {  	s13 =	sand.u32 $0x1FFFFFC0, s15  }
0x1e2: {  	s13 =	sadd.s32 s3, s13  }
0x1e3: {  	[tilespmem:s9], [sflag:$0x1] =	stream.linear.gather [hbm4b:s13+s2], $0x180, $0x38;
	[tilespmem:$0x10080] =	vst v63  }
0x1e4: {  	_ =	swait.ge [sflag:s10], $0xC000  }
0x1e5: {  	s14 =	simm.s32 $0x280;
	[sflag:s10] =	ssyncset.done $0x0  }
0x1e6: {  	s15 =	sadd.s32 $0x0, s5;
	s13 =	simm.s32 $0x40;
	[sflag:s10] =	ssyncadd.s32 $0xFFFF4000  }
.LBB2_2:
0x1e7: {  	[hbm4b:s15+s2] =	stream.linear.scatter [tilespmem:s12], [sflag:$0x2], $0x180, $0x38;
	[tilespmem:$0x10080] =	vst v63  }
0x1e8: {  	s15 =	smov.u32 s13;
	s12 =	smov.u32 s14;
	p0 =	sne.s32 s13, $0x1FC0  }
.Ltmp0:
0x1e9: {  	s13 =	sadd.s32 $0x40, s13;
	(pc) =	sbr.rel @p0 .LBB2_2-.Ltmp0, $2  }
0x1ea: {  	_ =	sdelay $0x2  }
0x1eb: {  	s14 =	sadd.s32 $0x200, s14;
	s15 =	sadd.s32 s15, s5  }
0x1ec: {  	s11 =	sadd.s32 $0x1, s11  }
0x1ed: {  	p0 =	sne.s32 s11, s6  }
.Ltmp1:
0x1ee: {  	_ = 	snop;
	(pc) =	sbr.rel @p0 .LBB2_1-.Ltmp1, $4  }
0x1ef: {  	[hbm4b:s15+s2] =	stream.linear.scatter [tilespmem:s12], [sflag:$0x2], $0x180, $0x38;
	[tilespmem:$0x10080] =	vst v63  }
0x1f0: {  	_ =	swait.ge [sflag:s7], $0xC000  }
0x1f1: {  	[sflag:s7] =	ssyncset.done $0x0  }
0x1f2: {  	[sflag:s7] =	ssyncadd.s32 $0xFFFF4000  }
0x1f3: {  	_ =	sfence.sel $0x180000  }
0x1f4: {  	[bflag:$0x0] =	sbarrier.arrive $0xFFFF  }
0x1f5: {  	_ =	strace $0x9000004A  }
0x1f6: {  	s0 =	stileid.u32;
	[bflag:$0x2] =	sbarrier.arrive $0xFFFF  }
0x1f7: {  	p0 =	sne.s32 s0, $0x0;
	s0 =	rddreg [dreg:$0x2]  }
0x1f8: {  	s0 =	sadd.s32 @!p0 $0x100000, s0  }
0x1f9: {  	[sflag:s0] =	ssyncadd.tile.s32 @!p0 $0x1;
	_ =	shalt  }
.Lfunc_end2:
_tile_overlayer_lowered:
.L_overlay_start_2:
0x1fa: {  	(tag) =	ssettag $0x2  }
0x1fb: {  	s0 =	rddreg [dreg:$0x0];
	s2 =	stileid.u32  }
0x1fc: {  	s1 =	rddreg [dreg:$0x1];
	p0 =	sne.s32 s2, $0x0  }
0x1fd: {  	s3 =	rddreg [dreg:$0x2];
	[bflag:$0x3] =	sbarrier.arrive $0xFFFF;
	s2 =	simm.s32 @!p0 $0x1C02  }
0x1fe: {  	[timem:s3], [sflag:s2] =	dma.local @!p0 [hbm:s0], s1  }
0x1ff: {  	s0 =	simm.s32 @!p0 $0x2  }
0x200: {  	_ =	swait.ge @!p0 [sflag:s0], s1  }
0x201: {  	s1 =	ssub.s32 @!p0 $0x0, s1;
	[sflag:s0] =	ssyncset.done @!p0 $0x0  }
0x202: {  	[sflag:s0] =	ssyncadd.s32 @!p0 s1  }
0x203: {  	[bflag:$0x3] =	sbarrier.arrive $0xFFFF  }
0x204: {  	_ =	shalt  }

</sc_bundles>
